<compile_context>
chip_gen: v7x
topology: tpu7x:2x2x1
jax: 0.10.2.dev20260603
libtpu: 0.0.44.dev20260713+nightly
codegen_flags: <defaults>
</compile_context>

<pallas_src>
import functools

import jax
import jax.numpy as jnp
from jax import lax
from jax.experimental import pallas as pl
from jax.experimental.pallas import tpu as pltpu
from jax.experimental.pallas import tpu_sc as plsc

N = 10000
E = 320000
F1 = 128
CP = 48
CLASSES = 40

NC, NS = 2, 16
NCU = 2
NW = NCU * NS
K = 128
E_PAD = 327680
NCHUNK = E_PAD // (NW * K)
assert NW * NCHUNK * K == E_PAD
ACC_ROWS = 10112
STRIPE = ACC_ROWS // NS

BM = 1000


def _sc_mesh():
    return plsc.VectorSubcoreMesh(
        core_axis_name="c", subcore_axis_name="s",
        num_cores=NCU, num_subcores=NS)



@functools.cache
def _get_deg_kernel():
    @functools.partial(
        pl.kernel,
        out_type=jax.ShapeDtypeStruct((NCU, ACC_ROWS, 16), jnp.float32),
        mesh=_sc_mesh(),
        scratch_types=[
            pltpu.VMEM((NCHUNK, K), jnp.int32),
            pltpu.VMEM((K, 16), jnp.float32),
            pltpu.VMEM_SHARED((ACC_ROWS, 16), jnp.float32),
        ],
        compiler_params=pltpu.CompilerParams(use_tc_tiling_on_sc=False),
    )
    def _deg_kernel(dst_hbm, ones_hbm, zeros_hbm, out_hbm, dst_v, ones_v, acc_s):
        c = lax.axis_index("c")
        s = lax.axis_index("s")
        wid = c * NS + s
        pltpu.sync_copy(zeros_hbm, acc_s.at[pl.ds(s * STRIPE, STRIPE)])
        pltpu.sync_copy(dst_hbm.at[wid], dst_v)
        pltpu.sync_copy(ones_hbm, ones_v)
        plsc.subcore_barrier()

        def body(j, carry):
            pltpu.sync_copy(ones_v, acc_s.at[dst_v.at[j]], add=True)
            return carry

        lax.fori_loop(0, NCHUNK, body, 0)
        plsc.subcore_barrier()
        pltpu.sync_copy(acc_s.at[pl.ds(s * STRIPE, STRIPE)],
                        out_hbm.at[c, pl.ds(s * STRIPE, STRIPE)])


    return _deg_kernel



G = 8
NBUF = 2
NCH0, NCH1 = 120, 40
TOT_CHUNKS = NS * (NCH0 + NCH1)
assert TOT_CHUNKS * K == E_PAD and NCH0 % G == 0 and NCH1 % G == 0


@functools.cache
def _make_agg(D):
    @functools.partial(
        pl.kernel,
        out_type=jax.ShapeDtypeStruct((NCU, ACC_ROWS, D), jnp.float32),
        mesh=_sc_mesh(),
        scratch_types=(
            [pltpu.VMEM((G, K), jnp.int32),
             pltpu.VMEM((G, K), jnp.int32)]
            + [pltpu.VMEM((K, D), jnp.float32) for _ in range(NBUF)]
            + [pltpu.VMEM_SHARED((ACC_ROWS, D), jnp.float32)]
            + [pltpu.SemaphoreType.DMA for _ in range(2 * NBUF)]
        ),
        compiler_params=pltpu.CompilerParams(use_tc_tiling_on_sc=False),
    )
    def agg(h_hbm, src_hbm, dst_hbm, zeros_hbm, out_hbm,
            src_v, dst_v, *rest):
        rows = rest[:NBUF]
        acc_s = rest[NBUF]
        gsem = rest[NBUF + 1:NBUF + 1 + NBUF]
        ssem = rest[NBUF + 1 + NBUF:]
        c = lax.axis_index("c")
        s = lax.axis_index("s")
        cbase = jnp.where(c == 0, s * NCH0, NS * NCH0 + s * NCH1)
        ngroup = jnp.where(c == 0, NCH0 // G, NCH1 // G)
        pltpu.sync_copy(zeros_hbm, acc_s.at[pl.ds(s * STRIPE, STRIPE)])
        plsc.subcore_barrier()

        def group(g, carry):
            gb = cbase + g * G
            pltpu.sync_copy(src_hbm.at[pl.ds(gb, G)], src_v)
            pltpu.sync_copy(dst_hbm.at[pl.ds(gb, G)], dst_v)
            for b in range(NBUF):
                pltpu.make_async_copy(h_hbm.at[src_v.at[b]], rows[b], gsem[b]).start()

            def body(i, carry2):
                j = i * NBUF
                for b in range(NBUF):
                    pltpu.make_async_copy(h_hbm.at[src_v.at[j + b]], rows[b], gsem[b]).wait()
                    pltpu.make_async_copy(rows[b], acc_s.at[dst_v.at[j + b]], ssem[b]).start(add=True)
                for b in range(NBUF):
                    nj = j + NBUF + b

                    @pl.when(nj < G)
                    def _():
                        pltpu.make_async_copy(rows[b], acc_s.at[dst_v.at[j + b]], ssem[b]).wait()
                        pltpu.make_async_copy(h_hbm.at[src_v.at[nj]], rows[b], gsem[b]).start()
                return carry2

            lax.fori_loop(0, G // NBUF, body, 0)
            for b in range(NBUF):
                pltpu.make_async_copy(rows[b], acc_s.at[dst_v.at[G - NBUF + b]], ssem[b]).wait()
            return carry

        lax.fori_loop(0, ngroup, group, 0)
        plsc.subcore_barrier()
        pltpu.sync_copy(acc_s.at[pl.ds(s * STRIPE, STRIPE)],
                        out_hbm.at[c, pl.ds(s * STRIPE, STRIPE)])

    return agg




def _dis_block(degp_ref):
    deg = degp_ref[...].sum(axis=0)[:, 0:1] + 1.0
    return lax.rsqrt(deg)


def _mm1_body(degp_ref, x_ref, w_ref, out_ref):
    dis = _dis_block(degp_ref)
    h = jnp.dot(x_ref[...], w_ref[...], preferred_element_type=jnp.float32)
    out_ref[...] = h * dis


def _mid_body(degp_ref, a_ref, hs1_ref, b1_ref, out_ref):
    dis = _dis_block(degp_ref)
    h = dis * (a_ref[...].sum(axis=0) + hs1_ref[...]) + b1_ref[...]
    out_ref[...] = jnp.maximum(h, 0.0) * dis


def _fin_body(degp_ref, a_ref, u_ref, b2_ref, w2_ref, out_ref):
    dis = _dis_block(degp_ref)
    h = a_ref[...].sum(axis=0) + u_ref[...]
    out_ref[...] = dis * jnp.dot(h, w2_ref[...],
                                 preferred_element_type=jnp.float32) + b2_ref[...]


def _degp_spec():
    return pl.BlockSpec((NCU, BM, 16), lambda i: (0, i, 0))


def _acc_spec(D):
    return pl.BlockSpec((NCU, BM, D), lambda i: (0, i, 0))


_mm1 = pl.pallas_call(
    _mm1_body,
    grid=(N // BM,),
    in_specs=[
        _degp_spec(),
        pl.BlockSpec((BM, F1), lambda i: (i, 0)),
        pl.BlockSpec((F1, F1), lambda i: (0, 0)),
    ],
    out_specs=pl.BlockSpec((BM, F1), lambda i: (i, 0)),
    out_shape=jax.ShapeDtypeStruct((N, F1), jnp.float32),
)

_mid = pl.pallas_call(
    _mid_body,
    grid=(N // BM,),
    in_specs=[
        _degp_spec(),
        _acc_spec(F1),
        pl.BlockSpec((BM, F1), lambda i: (i, 0)),
        pl.BlockSpec((1, F1), lambda i: (0, 0)),
    ],
    out_specs=pl.BlockSpec((BM, F1), lambda i: (i, 0)),
    out_shape=jax.ShapeDtypeStruct((N, F1), jnp.float32),
)

_fin = pl.pallas_call(
    _fin_body,
    grid=(N // BM,),
    in_specs=[
        _degp_spec(),
        _acc_spec(F1),
        pl.BlockSpec((BM, F1), lambda i: (i, 0)),
        pl.BlockSpec((1, CP), lambda i: (0, 0)),
        pl.BlockSpec((F1, CP), lambda i: (0, 0)),
    ],
    out_specs=pl.BlockSpec((BM, CP), lambda i: (i, 0)),
    out_shape=jax.ShapeDtypeStruct((N, CP), jnp.float32),
)



@jax.jit
def _run(x, edge_index, W1, b1, W2, b2):
    src = edge_index[0].astype(jnp.int32)
    dst = edge_index[1].astype(jnp.int32)
    pad = E_PAD - E
    pad_dst = N + (jnp.arange(pad, dtype=jnp.int32) % (ACC_ROWS - N))
    src_p = jnp.concatenate([src, jnp.zeros((pad,), jnp.int32)])
    dst_p = jnp.concatenate([dst, pad_dst])
    src3 = src_p.reshape(NW, NCHUNK, K)
    dst3 = dst_p.reshape(NW, NCHUNK, K)
    srcF = src_p.reshape(TOT_CHUNKS, K)
    dstF = dst_p.reshape(TOT_CHUNKS, K)

    ones16 = jnp.ones((K, 16), jnp.float32)
    z16 = jnp.zeros((STRIPE, 16), jnp.float32)
    z128 = jnp.zeros((STRIPE, F1), jnp.float32)
    W2p = jnp.pad(W2, ((0, 0), (0, CP - CLASSES)))
    b1r = b1.reshape(1, F1)
    b2r = jnp.pad(b2, (0, CP - CLASSES)).reshape(1, CP)

    degp = _get_deg_kernel()(dst3, ones16, z16)
    hs1 = _mm1(degp, x, W1)
    acc1 = _make_agg(F1)(hs1, srcF, dstF, z128)
    u = _mid(degp, acc1, hs1, b1r)
    acc2 = _make_agg(F1)(u, srcF, dstF, z128)
    outp = _fin(degp, acc2, u, b2r, W2p)
    return outp[:, :CLASSES]


def kernel(x, edge_index, W1, b1, W2, b2):
    return _run(x, edge_index, W1, b1, W2, b2)

# --- scband reference (transcript-rebuilt; emitter-appended) ---
"""Pipeline reference for scband-gcn-73933567033777 (READ-ONLY COPY).

The authoritative reference and input builder live on the scoring server;
editing this copy changes nothing except your own understanding.
"""

import jax, jax.numpy as jnp
import numpy as np

N_NODES = 10000
N_EDGES = 320000
NFEAT = 128
HIDDEN = 128
CLASSES = 40


def glorot(key, shape):
    limit = np.sqrt(6.0 / (shape[0] + shape[1]))
    return jax.random.uniform(key, shape, jnp.float32, -limit, limit)


def setup_inputs(seed: int = 0) -> dict:
    key = jax.random.key(seed)
    k1, k2, k3, k4 = jax.random.split(key, 4)
    x = jax.random.normal(k1, (N_NODES, NFEAT), jnp.float32)
    edge_index = jax.random.randint(k2, (2, N_EDGES), 0, N_NODES)
    W1 = glorot(k3, (NFEAT, HIDDEN))
    b1 = jnp.zeros((HIDDEN,), jnp.float32)
    W2 = glorot(k4, (HIDDEN, CLASSES))
    b2 = jnp.zeros((CLASSES,), jnp.float32)
    return {"x": x, "edge_index": edge_index, "W1": W1, "b1": b1, "W2": W2, "b2": b2}


def gcn_conv(x, edge_index, W, b):
    # Faithful PyG GCNConv (normalize=True, add_self_loops=True, bias=True):
    #   out = D^{-1/2} (A + I) D^{-1/2} X W + b
    N = x.shape[0]
    h = x @ W
    src = edge_index[0]
    dst = edge_index[1]
    loop = jnp.arange(N, dtype=src.dtype)
    src = jnp.concatenate([src, loop])
    dst = jnp.concatenate([dst, loop])
    ew = jnp.ones(src.shape[0], jnp.float32)
    deg = jnp.zeros((N,), jnp.float32).at[dst].add(ew)
    deg_inv_sqrt = jnp.where(deg > 0, jax.lax.rsqrt(jnp.maximum(deg, 1e-12)), 0.0)
    norm = deg_inv_sqrt[src] * ew * deg_inv_sqrt[dst]
    msg = norm[:, None] * h[src]
    out = jnp.zeros((N, W.shape[1]), jnp.float32).at[dst].add(msg)
    return out + b


def reference(x, edge_index, W1, b1, W2, b2):
    h = gcn_conv(x, edge_index, W1, b1)
    h = jax.nn.relu(h)
    # dropout omitted (deterministic eval-mode reference)
    out = gcn_conv(h, edge_index, W2, b2)
    return out

if __name__ == "__main__":
    import jax
    _d = setup_inputs()
    print(jax.jit(kernel)(*tuple(_d.values())))

</pallas_src>

<mosaic_0001>
#map = affine_map<(d0, d1) -> (0, 0)>
#map1 = affine_map<(d0, d1) -> (0, 0, 0)>
module attributes {stable_mosaic.version = 14 : i64} {
  func.func @agg(%arg0: i32, %arg1: i32, %arg2: memref<10000x128xf32, #tpu.memory_space<hbm>>, %arg3: memref<2560x128xi32, #tpu.memory_space<hbm>>, %arg4: memref<2560x128xi32, #tpu.memory_space<hbm>>, %arg5: memref<632x128xf32, #tpu.memory_space<hbm>>, %arg6: memref<2x10112x128xf32, #tpu.memory_space<hbm>>, %arg7: memref<8x128xi32, #tpu.memory_space<vmem>>, %arg8: memref<8x128xi32, #tpu.memory_space<vmem>>, %arg9: memref<128x128xf32, #tpu.memory_space<vmem>>, %arg10: memref<128x128xf32, #tpu.memory_space<vmem>>, %arg11: memref<10112x128xf32, #tpu.memory_space<vmem_shared>>, %arg12: memref<!tpu.dma_semaphore, #tpu.memory_space<semaphore_mem>>, %arg13: memref<!tpu.dma_semaphore, #tpu.memory_space<semaphore_mem>>, %arg14: memref<!tpu.dma_semaphore, #tpu.memory_space<semaphore_mem>>, %arg15: memref<!tpu.dma_semaphore, #tpu.memory_space<semaphore_mem>>) attributes {dimension_semantics = [#tpu.dimension_semantics<core_parallel>, #tpu.dimension_semantics<subcore_parallel>], iteration_bounds = array<i64: 2, 16>, scalar_prefetch = 0 : i64, scratch_operands = 9 : i64, tpu.core_type = #tpu.core_type<sc_vector_subcore>, window_params = [{transform_indices = #map}, {transform_indices = #map}, {transform_indices = #map}, {transform_indices = #map}, {transform_indices = #map1}]} {
    %eq3A = arith.constant 0 : i32
    %eq3A_0 = arith.cmpi eq, %arg0, %eq3A : i32
    %mul3A = arith.constant 120 : i32
    %mul3A_1 = arith.muli %arg1, %mul3A : i32
    %mul3A_2 = arith.constant 40 : i32
    %mul3A_3 = arith.muli %arg1, %mul3A_2 : i32
    %add3A = arith.constant 1920 : i32
    %add3A_4 = arith.addi %add3A, %mul3A_3 : i32
    %select_n3A = arith.select %eq3A_0, %mul3A_1, %add3A_4 : i32
    %eq3A_5 = arith.constant 0 : i32
    %eq3A_6 = arith.cmpi eq, %arg0, %eq3A_5 : i32
    %jit3A = arith.constant 15 : i32
    %jit3A_7 = arith.constant 5 : i32
    %select_n3A_8 = arith.select %eq3A_6, %jit3A, %jit3A_7 : i32
    %mul3A_9 = arith.constant 632 : i32
    %mul3A_10 = arith.muli %arg1, %mul3A_9 : i32
    "tpu.region"() ({
      %run_scoped3A = tpu.sem_alloc : memref<!tpu.dma_semaphore, #tpu.memory_space<semaphore_mem>>
      %dma_start3A = arith.constant 0 : i32
      %dma_start3A_25 = tpu.memref_slice %arg11[%mul3A_10, %dma_start3A] : memref<10112x128xf32, #tpu.memory_space<vmem_shared>> -> memref<632x128xf32, #tpu.memory_space<vmem_shared>>
      tpu.enqueue_dma source(%arg5 : memref<632x128xf32, #tpu.memory_space<hbm>>) target(%dma_start3A_25 : memref<632x128xf32, #tpu.memory_space<vmem_shared>>) target_semaphore(%run_scoped3A : memref<!tpu.dma_semaphore, #tpu.memory_space<semaphore_mem>>)
      %dma_wait3A = arith.constant 0 : i32
      %dma_wait3A_26 = tpu.memref_slice %arg11[%mul3A_10, %dma_wait3A] : memref<10112x128xf32, #tpu.memory_space<vmem_shared>> -> memref<632x128xf32, #tpu.memory_space<vmem_shared>>
      tpu.wait_dma2 semaphore(%run_scoped3A : memref<!tpu.dma_semaphore, #tpu.memory_space<semaphore_mem>>) src(%arg5 : memref<632x128xf32, #tpu.memory_space<hbm>>) dst(%dma_wait3A_26 : memref<632x128xf32, #tpu.memory_space<vmem_shared>>)
      tpu.yield
    }) : () -> ()
    %barrier3A = arith.constant 0 : index
    tpu.barrier barrier_id(%barrier3A)
    %while3A = arith.constant 0 : i32
    %while3A_11 = arith.constant 0 : i32
    %while3A_12 = arith.subi %select_n3A_8, %while3A_11 : i32
    %while3A_13 = arith.addi %while3A_11, %while3A_12 : i32
    %while3A_14 = arith.constant 1 : i32
    %while3A_15 = arith.divsi %while3A_12, %while3A_14 : i32
    %while3A_16 = arith.muli %while3A_15, %while3A_14 : i32
    %while3A_17 = arith.addi %while3A_11, %while3A_16 : i32
    %while3A_18 = arith.constant 1 : i32
    scf.for %while3A_25 = %while3A_11 to %while3A_17 step %while3A_18  : i32 {
      %mul3A_26 = arith.constant 8 : i32
      %mul3A_27 = arith.muli %while3A_25, %mul3A_26 : i32
      %add3A_28 = arith.addi %select_n3A, %mul3A_27 : i32
      "tpu.region"() ({
        %run_scoped3A = tpu.sem_alloc : memref<!tpu.dma_semaphore, #tpu.memory_space<semaphore_mem>>
        %dma_start3A_60 = arith.constant 0 : i32
        %dma_start3A_61 = tpu.memref_slice %arg3[%add3A_28, %dma_start3A_60] : memref<2560x128xi32, #tpu.memory_space<hbm>> -> memref<8x128xi32, #tpu.memory_space<hbm>>
        %dma_start3A_62 = arith.constant 0 : i32
        %dma_start3A_63 = tpu.memref_slice %arg3[%add3A_28, %dma_start3A_62] : memref<2560x128xi32, #tpu.memory_space<hbm>> -> memref<8x128xi32, #tpu.memory_space<hbm>>
        tpu.enqueue_dma source(%dma_start3A_63 : memref<8x128xi32, #tpu.memory_space<hbm>>) target(%arg7 : memref<8x128xi32, #tpu.memory_space<vmem>>) target_semaphore(%run_scoped3A : memref<!tpu.dma_semaphore, #tpu.memory_space<semaphore_mem>>)
        %dma_wait3A_64 = arith.constant 0 : i32
        %dma_wait3A_65 = tpu.memref_slice %arg3[%add3A_28, %dma_wait3A_64] : memref<2560x128xi32, #tpu.memory_space<hbm>> -> memref<8x128xi32, #tpu.memory_space<hbm>>
        %dma_wait3A_66 = arith.constant 0 : i32
        %dma_wait3A_67 = tpu.memref_slice %arg3[%add3A_28, %dma_wait3A_66] : memref<2560x128xi32, #tpu.memory_space<hbm>> -> memref<8x128xi32, #tpu.memory_space<hbm>>
        tpu.wait_dma2 semaphore(%run_scoped3A : memref<!tpu.dma_semaphore, #tpu.memory_space<semaphore_mem>>) src(%dma_wait3A_67 : memref<8x128xi32, #tpu.memory_space<hbm>>) dst(%arg7 : memref<8x128xi32, #tpu.memory_space<vmem>>)
        tpu.yield
      }) : () -> ()
      "tpu.region"() ({
        %run_scoped3A = tpu.sem_alloc : memref<!tpu.dma_semaphore, #tpu.memory_space<semaphore_mem>>
        %dma_start3A_60 = arith.constant 0 : i32
        %dma_start3A_61 = tpu.memref_slice %arg4[%add3A_28, %dma_start3A_60] : memref<2560x128xi32, #tpu.memory_space<hbm>> -> memref<8x128xi32, #tpu.memory_space<hbm>>
        %dma_start3A_62 = arith.constant 0 : i32
        %dma_start3A_63 = tpu.memref_slice %arg4[%add3A_28, %dma_start3A_62] : memref<2560x128xi32, #tpu.memory_space<hbm>> -> memref<8x128xi32, #tpu.memory_space<hbm>>
        tpu.enqueue_dma source(%dma_start3A_63 : memref<8x128xi32, #tpu.memory_space<hbm>>) target(%arg8 : memref<8x128xi32, #tpu.memory_space<vmem>>) target_semaphore(%run_scoped3A : memref<!tpu.dma_semaphore, #tpu.memory_space<semaphore_mem>>)
        %dma_wait3A_64 = arith.constant 0 : i32
        %dma_wait3A_65 = tpu.memref_slice %arg4[%add3A_28, %dma_wait3A_64] : memref<2560x128xi32, #tpu.memory_space<hbm>> -> memref<8x128xi32, #tpu.memory_space<hbm>>
        %dma_wait3A_66 = arith.constant 0 : i32
        %dma_wait3A_67 = tpu.memref_slice %arg4[%add3A_28, %dma_wait3A_66] : memref<2560x128xi32, #tpu.memory_space<hbm>> -> memref<8x128xi32, #tpu.memory_space<hbm>>
        tpu.wait_dma2 semaphore(%run_scoped3A : memref<!tpu.dma_semaphore, #tpu.memory_space<semaphore_mem>>) src(%dma_wait3A_67 : memref<8x128xi32, #tpu.memory_space<hbm>>) dst(%arg8 : memref<8x128xi32, #tpu.memory_space<vmem>>)
        tpu.yield
      }) : () -> ()
      %dma_start3A = arith.constant 0 : i32
      %dma_start3A_29 = arith.constant 0 : i32
      %dma_start3A_30 = tpu.memref_slice %arg7[%dma_start3A, %dma_start3A_29] : memref<8x128xi32, #tpu.memory_space<vmem>> -> memref<1x128xi32, #tpu.memory_space<vmem>>
      %dma_start3A_31 = tpu.memref_squeeze %dma_start3A_30 : memref<1x128xi32, #tpu.memory_space<vmem>> -> memref<128xi32, #tpu.memory_space<vmem>>
      %dma_start3A_32 = arith.constant 0 : i32
      %dma_start3A_33 = arith.constant 0 : i32
      %dma_start3A_34 = tpu.memref_slice %arg2[%dma_start3A_32, %dma_start3A_33] : memref<10000x128xf32, #tpu.memory_space<hbm>> -> memref<10000x128xf32, #tpu.memory_space<hbm>>
      tpu.enqueue_indirect_dma source(%dma_start3A_34 : memref<10000x128xf32, #tpu.memory_space<hbm>>) target(%arg9 : memref<128x128xf32, #tpu.memory_space<vmem>>) offsets(%dma_start3A_31 : memref<128xi32, #tpu.memory_space<vmem>>) semaphore(%arg12 : memref<!tpu.dma_semaphore, #tpu.memory_space<semaphore_mem>>)
      %dma_start3A_35 = arith.constant 1 : i32
      %dma_start3A_36 = arith.constant 0 : i32
      %dma_start3A_37 = tpu.memref_slice %arg7[%dma_start3A_35, %dma_start3A_36] : memref<8x128xi32, #tpu.memory_space<vmem>> -> memref<1x128xi32, #tpu.memory_space<vmem>>
      %dma_start3A_38 = tpu.memref_squeeze %dma_start3A_37 : memref<1x128xi32, #tpu.memory_space<vmem>> -> memref<128xi32, #tpu.memory_space<vmem>>
      %dma_start3A_39 = arith.constant 0 : i32
      %dma_start3A_40 = arith.constant 0 : i32
      %dma_start3A_41 = tpu.memref_slice %arg2[%dma_start3A_39, %dma_start3A_40] : memref<10000x128xf32, #tpu.memory_space<hbm>> -> memref<10000x128xf32, #tpu.memory_space<hbm>>
      tpu.enqueue_indirect_dma source(%dma_start3A_41 : memref<10000x128xf32, #tpu.memory_space<hbm>>) target(%arg10 : memref<128x128xf32, #tpu.memory_space<vmem>>) offsets(%dma_start3A_38 : memref<128xi32, #tpu.memory_space<vmem>>) semaphore(%arg13 : memref<!tpu.dma_semaphore, #tpu.memory_space<semaphore_mem>>)
      %scan3A = arith.constant 0 : i32
      %scan3A_42 = arith.constant 0 : i32
      %scan3A_43 = arith.constant 4 : i32
      %scan3A_44 = arith.addi %scan3A_42, %scan3A_43 : i32
      %scan3A_45 = arith.constant 1 : i32
      scf.for %scan3A_60 = %scan3A_42 to %scan3A_44 step %scan3A_45  : i32 {
        %mul3A_61 = arith.constant 2 : i32
        %mul3A_62 = arith.muli %scan3A_60, %mul3A_61 : i32
        %add3A_63 = arith.constant 0 : i32
        %add3A_64 = arith.addi %mul3A_62, %add3A_63 : i32
        %dma_wait3A_65 = arith.constant 0 : i32
        %dma_wait3A_66 = tpu.memref_slice %arg7[%add3A_64, %dma_wait3A_65] : memref<8x128xi32, #tpu.memory_space<vmem>> -> memref<1x128xi32, #tpu.memory_space<vmem>>
        %dma_wait3A_67 = tpu.memref_squeeze %dma_wait3A_66 : memref<1x128xi32, #tpu.memory_space<vmem>> -> memref<128xi32, #tpu.memory_space<vmem>>
        %dma_wait3A_68 = arith.constant 0 : i32
        %dma_wait3A_69 = arith.constant 0 : i32
        %dma_wait3A_70 = tpu.memref_slice %arg2[%dma_wait3A_68, %dma_wait3A_69] : memref<10000x128xf32, #tpu.memory_space<hbm>> -> memref<10000x128xf32, #tpu.memory_space<hbm>>
        tpu.wait_indirect_dma semaphore(%arg12 : memref<!tpu.dma_semaphore, #tpu.memory_space<semaphore_mem>>) src(%dma_wait3A_70 : memref<10000x128xf32, #tpu.memory_space<hbm>>) dst(%arg9 : memref<128x128xf32, #tpu.memory_space<vmem>>)
        %add3A_71 = arith.constant 0 : i32
        %add3A_72 = arith.addi %mul3A_62, %add3A_71 : i32
        %dma_start3A_73 = arith.constant 0 : i32
        %dma_start3A_74 = tpu.memref_slice %arg8[%add3A_72, %dma_start3A_73] : memref<8x128xi32, #tpu.memory_space<vmem>> -> memref<1x128xi32, #tpu.memory_space<vmem>>
        %dma_start3A_75 = tpu.memref_squeeze %dma_start3A_74 : memref<1x128xi32, #tpu.memory_space<vmem>> -> memref<128xi32, #tpu.memory_space<vmem>>
        %dma_start3A_76 = arith.constant 0 : i32
        %dma_start3A_77 = arith.constant 0 : i32
        %dma_start3A_78 = tpu.memref_slice %arg11[%dma_start3A_76, %dma_start3A_77] : memref<10112x128xf32, #tpu.memory_space<vmem_shared>> -> memref<10112x128xf32, #tpu.memory_space<vmem_shared>>
        tpu.enqueue_indirect_dma source(%arg9 : memref<128x128xf32, #tpu.memory_space<vmem>>) target(%dma_start3A_78 : memref<10112x128xf32, #tpu.memory_space<vmem_shared>>) offsets(%dma_start3A_75 : memref<128xi32, #tpu.memory_space<vmem>>) semaphore(%arg14 : memref<!tpu.dma_semaphore, #tpu.memory_space<semaphore_mem>>) {add = true}
        %add3A_79 = arith.constant 1 : i32
        %add3A_80 = arith.addi %mul3A_62, %add3A_79 : i32
        %dma_wait3A_81 = arith.constant 0 : i32
        %dma_wait3A_82 = tpu.memref_slice %arg7[%add3A_80, %dma_wait3A_81] : memref<8x128xi32, #tpu.memory_space<vmem>> -> memref<1x128xi32, #tpu.memory_space<vmem>>
        %dma_wait3A_83 = tpu.memref_squeeze %dma_wait3A_82 : memref<1x128xi32, #tpu.memory_space<vmem>> -> memref<128xi32, #tpu.memory_space<vmem>>
        %dma_wait3A_84 = arith.constant 0 : i32
        %dma_wait3A_85 = arith.constant 0 : i32
        %dma_wait3A_86 = tpu.memref_slice %arg2[%dma_wait3A_84, %dma_wait3A_85] : memref<10000x128xf32, #tpu.memory_space<hbm>> -> memref<10000x128xf32, #tpu.memory_space<hbm>>
        tpu.wait_indirect_dma semaphore(%arg13 : memref<!tpu.dma_semaphore, #tpu.memory_space<semaphore_mem>>) src(%dma_wait3A_86 : memref<10000x128xf32, #tpu.memory_space<hbm>>) dst(%arg10 : memref<128x128xf32, #tpu.memory_space<vmem>>)
        %add3A_87 = arith.constant 1 : i32
        %add3A_88 = arith.addi %mul3A_62, %add3A_87 : i32
        %dma_start3A_89 = arith.constant 0 : i32
        %dma_start3A_90 = tpu.memref_slice %arg8[%add3A_88, %dma_start3A_89] : memref<8x128xi32, #tpu.memory_space<vmem>> -> memref<1x128xi32, #tpu.memory_space<vmem>>
        %dma_start3A_91 = tpu.memref_squeeze %dma_start3A_90 : memref<1x128xi32, #tpu.memory_space<vmem>> -> memref<128xi32, #tpu.memory_space<vmem>>
        %dma_start3A_92 = arith.constant 0 : i32
        %dma_start3A_93 = arith.constant 0 : i32
        %dma_start3A_94 = tpu.memref_slice %arg11[%dma_start3A_92, %dma_start3A_93] : memref<10112x128xf32, #tpu.memory_space<vmem_shared>> -> memref<10112x128xf32, #tpu.memory_space<vmem_shared>>
        tpu.enqueue_indirect_dma source(%arg10 : memref<128x128xf32, #tpu.memory_space<vmem>>) target(%dma_start3A_94 : memref<10112x128xf32, #tpu.memory_space<vmem_shared>>) offsets(%dma_start3A_91 : memref<128xi32, #tpu.memory_space<vmem>>) semaphore(%arg15 : memref<!tpu.dma_semaphore, #tpu.memory_space<semaphore_mem>>) {add = true}
        %add3A_95 = arith.constant 2 : i32
        %add3A_96 = arith.addi %mul3A_62, %add3A_95 : i32
        %add3A_97 = arith.constant 0 : i32
        %add3A_98 = arith.addi %add3A_96, %add3A_97 : i32
        %lt3A = arith.constant 8 : i32
        %lt3A_99 = arith.cmpi slt, %add3A_98, %lt3A : i32
        %convert_element_type3A = arith.extui %lt3A_99 : i1 to i32
        %cond3A = arith.constant 0 : i32
        %cond3A_100 = arith.cmpi ne, %convert_element_type3A, %cond3A : i32
        scf.if %cond3A_100 {
          %add3A_110 = arith.constant 0 : i32
          %add3A_111 = arith.addi %mul3A_62, %add3A_110 : i32
          %dma_wait3A_112 = arith.constant 0 : i32
          %dma_wait3A_113 = tpu.memref_slice %arg8[%add3A_111, %dma_wait3A_112] : memref<8x128xi32, #tpu.memory_space<vmem>> -> memref<1x128xi32, #tpu.memory_space<vmem>>
          %dma_wait3A_114 = tpu.memref_squeeze %dma_wait3A_113 : memref<1x128xi32, #tpu.memory_space<vmem>> -> memref<128xi32, #tpu.memory_space<vmem>>
          %dma_wait3A_115 = arith.constant 0 : i32
          %dma_wait3A_116 = arith.constant 0 : i32
          %dma_wait3A_117 = tpu.memref_slice %arg11[%dma_wait3A_115, %dma_wait3A_116] : memref<10112x128xf32, #tpu.memory_space<vmem_shared>> -> memref<10112x128xf32, #tpu.memory_space<vmem_shared>>
          tpu.wait_indirect_dma semaphore(%arg14 : memref<!tpu.dma_semaphore, #tpu.memory_space<semaphore_mem>>) src(%arg9 : memref<128x128xf32, #tpu.memory_space<vmem>>) dst(%dma_wait3A_117 : memref<10112x128xf32, #tpu.memory_space<vmem_shared>>)
          %dma_start3A_118 = arith.constant 0 : i32
          %dma_start3A_119 = tpu.memref_slice %arg7[%add3A_98, %dma_start3A_118] : memref<8x128xi32, #tpu.memory_space<vmem>> -> memref<1x128xi32, #tpu.memory_space<vmem>>
          %dma_start3A_120 = tpu.memref_squeeze %dma_start3A_119 : memref<1x128xi32, #tpu.memory_space<vmem>> -> memref<128xi32, #tpu.memory_space<vmem>>
          %dma_start3A_121 = arith.constant 0 : i32
          %dma_start3A_122 = arith.constant 0 : i32
          %dma_start3A_123 = tpu.memref_slice %arg2[%dma_start3A_121, %dma_start3A_122] : memref<10000x128xf32, #tpu.memory_space<hbm>> -> memref<10000x128xf32, #tpu.memory_space<hbm>>
          tpu.enqueue_indirect_dma source(%dma_start3A_123 : memref<10000x128xf32, #tpu.memory_space<hbm>>) target(%arg9 : memref<128x128xf32, #tpu.memory_space<vmem>>) offsets(%dma_start3A_120 : memref<128xi32, #tpu.memory_space<vmem>>) semaphore(%arg12 : memref<!tpu.dma_semaphore, #tpu.memory_space<semaphore_mem>>)
        } else {
        }
        %add3A_101 = arith.constant 2 : i32
        %add3A_102 = arith.addi %mul3A_62, %add3A_101 : i32
        %add3A_103 = arith.constant 1 : i32
        %add3A_104 = arith.addi %add3A_102, %add3A_103 : i32
        %lt3A_105 = arith.constant 8 : i32
        %lt3A_106 = arith.cmpi slt, %add3A_104, %lt3A_105 : i32
        %convert_element_type3A_107 = arith.extui %lt3A_106 : i1 to i32
        %cond3A_108 = arith.constant 0 : i32
        %cond3A_109 = arith.cmpi ne, %convert_element_type3A_107, %cond3A_108 : i32
        scf.if %cond3A_109 {
          %add3A_110 = arith.constant 1 : i32
          %add3A_111 = arith.addi %mul3A_62, %add3A_110 : i32
          %dma_wait3A_112 = arith.constant 0 : i32
          %dma_wait3A_113 = tpu.memref_slice %arg8[%add3A_111, %dma_wait3A_112] : memref<8x128xi32, #tpu.memory_space<vmem>> -> memref<1x128xi32, #tpu.memory_space<vmem>>
          %dma_wait3A_114 = tpu.memref_squeeze %dma_wait3A_113 : memref<1x128xi32, #tpu.memory_space<vmem>> -> memref<128xi32, #tpu.memory_space<vmem>>
          %dma_wait3A_115 = arith.constant 0 : i32
          %dma_wait3A_116 = arith.constant 0 : i32
          %dma_wait3A_117 = tpu.memref_slice %arg11[%dma_wait3A_115, %dma_wait3A_116] : memref<10112x128xf32, #tpu.memory_space<vmem_shared>> -> memref<10112x128xf32, #tpu.memory_space<vmem_shared>>
          tpu.wait_indirect_dma semaphore(%arg15 : memref<!tpu.dma_semaphore, #tpu.memory_space<semaphore_mem>>) src(%arg10 : memref<128x128xf32, #tpu.memory_space<vmem>>) dst(%dma_wait3A_117 : memref<10112x128xf32, #tpu.memory_space<vmem_shared>>)
          %dma_start3A_118 = arith.constant 0 : i32
          %dma_start3A_119 = tpu.memref_slice %arg7[%add3A_104, %dma_start3A_118] : memref<8x128xi32, #tpu.memory_space<vmem>> -> memref<1x128xi32, #tpu.memory_space<vmem>>
          %dma_start3A_120 = tpu.memref_squeeze %dma_start3A_119 : memref<1x128xi32, #tpu.memory_space<vmem>> -> memref<128xi32, #tpu.memory_space<vmem>>
          %dma_start3A_121 = arith.constant 0 : i32
          %dma_start3A_122 = arith.constant 0 : i32
          %dma_start3A_123 = tpu.memref_slice %arg2[%dma_start3A_121, %dma_start3A_122] : memref<10000x128xf32, #tpu.memory_space<hbm>> -> memref<10000x128xf32, #tpu.memory_space<hbm>>
          tpu.enqueue_indirect_dma source(%dma_start3A_123 : memref<10000x128xf32, #tpu.memory_space<hbm>>) target(%arg10 : memref<128x128xf32, #tpu.memory_space<vmem>>) offsets(%dma_start3A_120 : memref<128xi32, #tpu.memory_space<vmem>>) semaphore(%arg13 : memref<!tpu.dma_semaphore, #tpu.memory_space<semaphore_mem>>)
        } else {
        }
      }
      %scan3A_46 = arith.constant 4 : i32
      %dma_wait3A = arith.constant 6 : i32
      %dma_wait3A_47 = arith.constant 0 : i32
      %dma_wait3A_48 = tpu.memref_slice %arg8[%dma_wait3A, %dma_wait3A_47] : memref<8x128xi32, #tpu.memory_space<vmem>> -> memref<1x128xi32, #tpu.memory_space<vmem>>
      %dma_wait3A_49 = tpu.memref_squeeze %dma_wait3A_48 : memref<1x128xi32, #tpu.memory_space<vmem>> -> memref<128xi32, #tpu.memory_space<vmem>>
      %dma_wait3A_50 = arith.constant 0 : i32
      %dma_wait3A_51 = arith.constant 0 : i32
      %dma_wait3A_52 = tpu.memref_slice %arg11[%dma_wait3A_50, %dma_wait3A_51] : memref<10112x128xf32, #tpu.memory_space<vmem_shared>> -> memref<10112x128xf32, #tpu.memory_space<vmem_shared>>
      tpu.wait_indirect_dma semaphore(%arg14 : memref<!tpu.dma_semaphore, #tpu.memory_space<semaphore_mem>>) src(%arg9 : memref<128x128xf32, #tpu.memory_space<vmem>>) dst(%dma_wait3A_52 : memref<10112x128xf32, #tpu.memory_space<vmem_shared>>)
      %dma_wait3A_53 = arith.constant 7 : i32
      %dma_wait3A_54 = arith.constant 0 : i32
      %dma_wait3A_55 = tpu.memref_slice %arg8[%dma_wait3A_53, %dma_wait3A_54] : memref<8x128xi32, #tpu.memory_space<vmem>> -> memref<1x128xi32, #tpu.memory_space<vmem>>
      %dma_wait3A_56 = tpu.memref_squeeze %dma_wait3A_55 : memref<1x128xi32, #tpu.memory_space<vmem>> -> memref<128xi32, #tpu.memory_space<vmem>>
      %dma_wait3A_57 = arith.constant 0 : i32
      %dma_wait3A_58 = arith.constant 0 : i32
      %dma_wait3A_59 = tpu.memref_slice %arg11[%dma_wait3A_57, %dma_wait3A_58] : memref<10112x128xf32, #tpu.memory_space<vmem_shared>> -> memref<10112x128xf32, #tpu.memory_space<vmem_shared>>
      tpu.wait_indirect_dma semaphore(%arg15 : memref<!tpu.dma_semaphore, #tpu.memory_space<semaphore_mem>>) src(%arg10 : memref<128x128xf32, #tpu.memory_space<vmem>>) dst(%dma_wait3A_59 : memref<10112x128xf32, #tpu.memory_space<vmem_shared>>)
    }
    %while3A_19 = arith.constant 1 : i32
    scf.for %while3A_25 = %while3A_17 to %while3A_13 step %while3A_19  : i32 {
      %mul3A_26 = arith.constant 8 : i32
      %mul3A_27 = arith.muli %while3A_25, %mul3A_26 : i32
      %add3A_28 = arith.addi %select_n3A, %mul3A_27 : i32
      "tpu.region"() ({
        %run_scoped3A = tpu.sem_alloc : memref<!tpu.dma_semaphore, #tpu.memory_space<semaphore_mem>>
        %dma_start3A_60 = arith.constant 0 : i32
        %dma_start3A_61 = tpu.memref_slice %arg3[%add3A_28, %dma_start3A_60] : memref<2560x128xi32, #tpu.memory_space<hbm>> -> memref<8x128xi32, #tpu.memory_space<hbm>>
        %dma_start3A_62 = arith.constant 0 : i32
        %dma_start3A_63 = tpu.memref_slice %arg3[%add3A_28, %dma_start3A_62] : memref<2560x128xi32, #tpu.memory_space<hbm>> -> memref<8x128xi32, #tpu.memory_space<hbm>>
        tpu.enqueue_dma source(%dma_start3A_63 : memref<8x128xi32, #tpu.memory_space<hbm>>) target(%arg7 : memref<8x128xi32, #tpu.memory_space<vmem>>) target_semaphore(%run_scoped3A : memref<!tpu.dma_semaphore, #tpu.memory_space<semaphore_mem>>)
        %dma_wait3A_64 = arith.constant 0 : i32
        %dma_wait3A_65 = tpu.memref_slice %arg3[%add3A_28, %dma_wait3A_64] : memref<2560x128xi32, #tpu.memory_space<hbm>> -> memref<8x128xi32, #tpu.memory_space<hbm>>
        %dma_wait3A_66 = arith.constant 0 : i32
        %dma_wait3A_67 = tpu.memref_slice %arg3[%add3A_28, %dma_wait3A_66] : memref<2560x128xi32, #tpu.memory_space<hbm>> -> memref<8x128xi32, #tpu.memory_space<hbm>>
        tpu.wait_dma2 semaphore(%run_scoped3A : memref<!tpu.dma_semaphore, #tpu.memory_space<semaphore_mem>>) src(%dma_wait3A_67 : memref<8x128xi32, #tpu.memory_space<hbm>>) dst(%arg7 : memref<8x128xi32, #tpu.memory_space<vmem>>)
        tpu.yield
      }) : () -> ()
      "tpu.region"() ({
        %run_scoped3A = tpu.sem_alloc : memref<!tpu.dma_semaphore, #tpu.memory_space<semaphore_mem>>
        %dma_start3A_60 = arith.constant 0 : i32
        %dma_start3A_61 = tpu.memref_slice %arg4[%add3A_28, %dma_start3A_60] : memref<2560x128xi32, #tpu.memory_space<hbm>> -> memref<8x128xi32, #tpu.memory_space<hbm>>
        %dma_start3A_62 = arith.constant 0 : i32
        %dma_start3A_63 = tpu.memref_slice %arg4[%add3A_28, %dma_start3A_62] : memref<2560x128xi32, #tpu.memory_space<hbm>> -> memref<8x128xi32, #tpu.memory_space<hbm>>
        tpu.enqueue_dma source(%dma_start3A_63 : memref<8x128xi32, #tpu.memory_space<hbm>>) target(%arg8 : memref<8x128xi32, #tpu.memory_space<vmem>>) target_semaphore(%run_scoped3A : memref<!tpu.dma_semaphore, #tpu.memory_space<semaphore_mem>>)
        %dma_wait3A_64 = arith.constant 0 : i32
        %dma_wait3A_65 = tpu.memref_slice %arg4[%add3A_28, %dma_wait3A_64] : memref<2560x128xi32, #tpu.memory_space<hbm>> -> memref<8x128xi32, #tpu.memory_space<hbm>>
        %dma_wait3A_66 = arith.constant 0 : i32
        %dma_wait3A_67 = tpu.memref_slice %arg4[%add3A_28, %dma_wait3A_66] : memref<2560x128xi32, #tpu.memory_space<hbm>> -> memref<8x128xi32, #tpu.memory_space<hbm>>
        tpu.wait_dma2 semaphore(%run_scoped3A : memref<!tpu.dma_semaphore, #tpu.memory_space<semaphore_mem>>) src(%dma_wait3A_67 : memref<8x128xi32, #tpu.memory_space<hbm>>) dst(%arg8 : memref<8x128xi32, #tpu.memory_space<vmem>>)
        tpu.yield
      }) : () -> ()
      %dma_start3A = arith.constant 0 : i32
      %dma_start3A_29 = arith.constant 0 : i32
      %dma_start3A_30 = tpu.memref_slice %arg7[%dma_start3A, %dma_start3A_29] : memref<8x128xi32, #tpu.memory_space<vmem>> -> memref<1x128xi32, #tpu.memory_space<vmem>>
      %dma_start3A_31 = tpu.memref_squeeze %dma_start3A_30 : memref<1x128xi32, #tpu.memory_space<vmem>> -> memref<128xi32, #tpu.memory_space<vmem>>
      %dma_start3A_32 = arith.constant 0 : i32
      %dma_start3A_33 = arith.constant 0 : i32
      %dma_start3A_34 = tpu.memref_slice %arg2[%dma_start3A_32, %dma_start3A_33] : memref<10000x128xf32, #tpu.memory_space<hbm>> -> memref<10000x128xf32, #tpu.memory_space<hbm>>
      tpu.enqueue_indirect_dma source(%dma_start3A_34 : memref<10000x128xf32, #tpu.memory_space<hbm>>) target(%arg9 : memref<128x128xf32, #tpu.memory_space<vmem>>) offsets(%dma_start3A_31 : memref<128xi32, #tpu.memory_space<vmem>>) semaphore(%arg12 : memref<!tpu.dma_semaphore, #tpu.memory_space<semaphore_mem>>)
      %dma_start3A_35 = arith.constant 1 : i32
      %dma_start3A_36 = arith.constant 0 : i32
      %dma_start3A_37 = tpu.memref_slice %arg7[%dma_start3A_35, %dma_start3A_36] : memref<8x128xi32, #tpu.memory_space<vmem>> -> memref<1x128xi32, #tpu.memory_space<vmem>>
      %dma_start3A_38 = tpu.memref_squeeze %dma_start3A_37 : memref<1x128xi32, #tpu.memory_space<vmem>> -> memref<128xi32, #tpu.memory_space<vmem>>
      %dma_start3A_39 = arith.constant 0 : i32
      %dma_start3A_40 = arith.constant 0 : i32
      %dma_start3A_41 = tpu.memref_slice %arg2[%dma_start3A_39, %dma_start3A_40] : memref<10000x128xf32, #tpu.memory_space<hbm>> -> memref<10000x128xf32, #tpu.memory_space<hbm>>
      tpu.enqueue_indirect_dma source(%dma_start3A_41 : memref<10000x128xf32, #tpu.memory_space<hbm>>) target(%arg10 : memref<128x128xf32, #tpu.memory_space<vmem>>) offsets(%dma_start3A_38 : memref<128xi32, #tpu.memory_space<vmem>>) semaphore(%arg13 : memref<!tpu.dma_semaphore, #tpu.memory_space<semaphore_mem>>)
      %scan3A = arith.constant 0 : i32
      %scan3A_42 = arith.constant 0 : i32
      %scan3A_43 = arith.constant 4 : i32
      %scan3A_44 = arith.addi %scan3A_42, %scan3A_43 : i32
      %scan3A_45 = arith.constant 1 : i32
      scf.for %scan3A_60 = %scan3A_42 to %scan3A_44 step %scan3A_45  : i32 {
        %mul3A_61 = arith.constant 2 : i32
        %mul3A_62 = arith.muli %scan3A_60, %mul3A_61 : i32
        %add3A_63 = arith.constant 0 : i32
        %add3A_64 = arith.addi %mul3A_62, %add3A_63 : i32
        %dma_wait3A_65 = arith.constant 0 : i32
        %dma_wait3A_66 = tpu.memref_slice %arg7[%add3A_64, %dma_wait3A_65] : memref<8x128xi32, #tpu.memory_space<vmem>> -> memref<1x128xi32, #tpu.memory_space<vmem>>
        %dma_wait3A_67 = tpu.memref_squeeze %dma_wait3A_66 : memref<1x128xi32, #tpu.memory_space<vmem>> -> memref<128xi32, #tpu.memory_space<vmem>>
        %dma_wait3A_68 = arith.constant 0 : i32
        %dma_wait3A_69 = arith.constant 0 : i32
        %dma_wait3A_70 = tpu.memref_slice %arg2[%dma_wait3A_68, %dma_wait3A_69] : memref<10000x128xf32, #tpu.memory_space<hbm>> -> memref<10000x128xf32, #tpu.memory_space<hbm>>
        tpu.wait_indirect_dma semaphore(%arg12 : memref<!tpu.dma_semaphore, #tpu.memory_space<semaphore_mem>>) src(%dma_wait3A_70 : memref<10000x128xf32, #tpu.memory_space<hbm>>) dst(%arg9 : memref<128x128xf32, #tpu.memory_space<vmem>>)
        %add3A_71 = arith.constant 0 : i32
        %add3A_72 = arith.addi %mul3A_62, %add3A_71 : i32
        %dma_start3A_73 = arith.constant 0 : i32
        %dma_start3A_74 = tpu.memref_slice %arg8[%add3A_72, %dma_start3A_73] : memref<8x128xi32, #tpu.memory_space<vmem>> -> memref<1x128xi32, #tpu.memory_space<vmem>>
        %dma_start3A_75 = tpu.memref_squeeze %dma_start3A_74 : memref<1x128xi32, #tpu.memory_space<vmem>> -> memref<128xi32, #tpu.memory_space<vmem>>
        %dma_start3A_76 = arith.constant 0 : i32
        %dma_start3A_77 = arith.constant 0 : i32
        %dma_start3A_78 = tpu.memref_slice %arg11[%dma_start3A_76, %dma_start3A_77] : memref<10112x128xf32, #tpu.memory_space<vmem_shared>> -> memref<10112x128xf32, #tpu.memory_space<vmem_shared>>
        tpu.enqueue_indirect_dma source(%arg9 : memref<128x128xf32, #tpu.memory_space<vmem>>) target(%dma_start3A_78 : memref<10112x128xf32, #tpu.memory_space<vmem_shared>>) offsets(%dma_start3A_75 : memref<128xi32, #tpu.memory_space<vmem>>) semaphore(%arg14 : memref<!tpu.dma_semaphore, #tpu.memory_space<semaphore_mem>>) {add = true}
        %add3A_79 = arith.constant 1 : i32
        %add3A_80 = arith.addi %mul3A_62, %add3A_79 : i32
        %dma_wait3A_81 = arith.constant 0 : i32
        %dma_wait3A_82 = tpu.memref_slice %arg7[%add3A_80, %dma_wait3A_81] : memref<8x128xi32, #tpu.memory_space<vmem>> -> memref<1x128xi32, #tpu.memory_space<vmem>>
        %dma_wait3A_83 = tpu.memref_squeeze %dma_wait3A_82 : memref<1x128xi32, #tpu.memory_space<vmem>> -> memref<128xi32, #tpu.memory_space<vmem>>
        %dma_wait3A_84 = arith.constant 0 : i32
        %dma_wait3A_85 = arith.constant 0 : i32
        %dma_wait3A_86 = tpu.memref_slice %arg2[%dma_wait3A_84, %dma_wait3A_85] : memref<10000x128xf32, #tpu.memory_space<hbm>> -> memref<10000x128xf32, #tpu.memory_space<hbm>>
        tpu.wait_indirect_dma semaphore(%arg13 : memref<!tpu.dma_semaphore, #tpu.memory_space<semaphore_mem>>) src(%dma_wait3A_86 : memref<10000x128xf32, #tpu.memory_space<hbm>>) dst(%arg10 : memref<128x128xf32, #tpu.memory_space<vmem>>)
        %add3A_87 = arith.constant 1 : i32
        %add3A_88 = arith.addi %mul3A_62, %add3A_87 : i32
        %dma_start3A_89 = arith.constant 0 : i32
        %dma_start3A_90 = tpu.memref_slice %arg8[%add3A_88, %dma_start3A_89] : memref<8x128xi32, #tpu.memory_space<vmem>> -> memref<1x128xi32, #tpu.memory_space<vmem>>
        %dma_start3A_91 = tpu.memref_squeeze %dma_start3A_90 : memref<1x128xi32, #tpu.memory_space<vmem>> -> memref<128xi32, #tpu.memory_space<vmem>>
        %dma_start3A_92 = arith.constant 0 : i32
        %dma_start3A_93 = arith.constant 0 : i32
        %dma_start3A_94 = tpu.memref_slice %arg11[%dma_start3A_92, %dma_start3A_93] : memref<10112x128xf32, #tpu.memory_space<vmem_shared>> -> memref<10112x128xf32, #tpu.memory_space<vmem_shared>>
        tpu.enqueue_indirect_dma source(%arg10 : memref<128x128xf32, #tpu.memory_space<vmem>>) target(%dma_start3A_94 : memref<10112x128xf32, #tpu.memory_space<vmem_shared>>) offsets(%dma_start3A_91 : memref<128xi32, #tpu.memory_space<vmem>>) semaphore(%arg15 : memref<!tpu.dma_semaphore, #tpu.memory_space<semaphore_mem>>) {add = true}
        %add3A_95 = arith.constant 2 : i32
        %add3A_96 = arith.addi %mul3A_62, %add3A_95 : i32
        %add3A_97 = arith.constant 0 : i32
        %add3A_98 = arith.addi %add3A_96, %add3A_97 : i32
        %lt3A = arith.constant 8 : i32
        %lt3A_99 = arith.cmpi slt, %add3A_98, %lt3A : i32
        %convert_element_type3A = arith.extui %lt3A_99 : i1 to i32
        %cond3A = arith.constant 0 : i32
        %cond3A_100 = arith.cmpi ne, %convert_element_type3A, %cond3A : i32
        scf.if %cond3A_100 {
          %add3A_110 = arith.constant 0 : i32
          %add3A_111 = arith.addi %mul3A_62, %add3A_110 : i32
          %dma_wait3A_112 = arith.constant 0 : i32
          %dma_wait3A_113 = tpu.memref_slice %arg8[%add3A_111, %dma_wait3A_112] : memref<8x128xi32, #tpu.memory_space<vmem>> -> memref<1x128xi32, #tpu.memory_space<vmem>>
          %dma_wait3A_114 = tpu.memref_squeeze %dma_wait3A_113 : memref<1x128xi32, #tpu.memory_space<vmem>> -> memref<128xi32, #tpu.memory_space<vmem>>
          %dma_wait3A_115 = arith.constant 0 : i32
          %dma_wait3A_116 = arith.constant 0 : i32
          %dma_wait3A_117 = tpu.memref_slice %arg11[%dma_wait3A_115, %dma_wait3A_116] : memref<10112x128xf32, #tpu.memory_space<vmem_shared>> -> memref<10112x128xf32, #tpu.memory_space<vmem_shared>>
          tpu.wait_indirect_dma semaphore(%arg14 : memref<!tpu.dma_semaphore, #tpu.memory_space<semaphore_mem>>) src(%arg9 : memref<128x128xf32, #tpu.memory_space<vmem>>) dst(%dma_wait3A_117 : memref<10112x128xf32, #tpu.memory_space<vmem_shared>>)
          %dma_start3A_118 = arith.constant 0 : i32
          %dma_start3A_119 = tpu.memref_slice %arg7[%add3A_98, %dma_start3A_118] : memref<8x128xi32, #tpu.memory_space<vmem>> -> memref<1x128xi32, #tpu.memory_space<vmem>>
          %dma_start3A_120 = tpu.memref_squeeze %dma_start3A_119 : memref<1x128xi32, #tpu.memory_space<vmem>> -> memref<128xi32, #tpu.memory_space<vmem>>
          %dma_start3A_121 = arith.constant 0 : i32
          %dma_start3A_122 = arith.constant 0 : i32
          %dma_start3A_123 = tpu.memref_slice %arg2[%dma_start3A_121, %dma_start3A_122] : memref<10000x128xf32, #tpu.memory_space<hbm>> -> memref<10000x128xf32, #tpu.memory_space<hbm>>
          tpu.enqueue_indirect_dma source(%dma_start3A_123 : memref<10000x128xf32, #tpu.memory_space<hbm>>) target(%arg9 : memref<128x128xf32, #tpu.memory_space<vmem>>) offsets(%dma_start3A_120 : memref<128xi32, #tpu.memory_space<vmem>>) semaphore(%arg12 : memref<!tpu.dma_semaphore, #tpu.memory_space<semaphore_mem>>)
        } else {
        }
        %add3A_101 = arith.constant 2 : i32
        %add3A_102 = arith.addi %mul3A_62, %add3A_101 : i32
        %add3A_103 = arith.constant 1 : i32
        %add3A_104 = arith.addi %add3A_102, %add3A_103 : i32
        %lt3A_105 = arith.constant 8 : i32
        %lt3A_106 = arith.cmpi slt, %add3A_104, %lt3A_105 : i32
        %convert_element_type3A_107 = arith.extui %lt3A_106 : i1 to i32
        %cond3A_108 = arith.constant 0 : i32
        %cond3A_109 = arith.cmpi ne, %convert_element_type3A_107, %cond3A_108 : i32
        scf.if %cond3A_109 {
          %add3A_110 = arith.constant 1 : i32
          %add3A_111 = arith.addi %mul3A_62, %add3A_110 : i32
          %dma_wait3A_112 = arith.constant 0 : i32
          %dma_wait3A_113 = tpu.memref_slice %arg8[%add3A_111, %dma_wait3A_112] : memref<8x128xi32, #tpu.memory_space<vmem>> -> memref<1x128xi32, #tpu.memory_space<vmem>>
          %dma_wait3A_114 = tpu.memref_squeeze %dma_wait3A_113 : memref<1x128xi32, #tpu.memory_space<vmem>> -> memref<128xi32, #tpu.memory_space<vmem>>
          %dma_wait3A_115 = arith.constant 0 : i32
          %dma_wait3A_116 = arith.constant 0 : i32
          %dma_wait3A_117 = tpu.memref_slice %arg11[%dma_wait3A_115, %dma_wait3A_116] : memref<10112x128xf32, #tpu.memory_space<vmem_shared>> -> memref<10112x128xf32, #tpu.memory_space<vmem_shared>>
          tpu.wait_indirect_dma semaphore(%arg15 : memref<!tpu.dma_semaphore, #tpu.memory_space<semaphore_mem>>) src(%arg10 : memref<128x128xf32, #tpu.memory_space<vmem>>) dst(%dma_wait3A_117 : memref<10112x128xf32, #tpu.memory_space<vmem_shared>>)
          %dma_start3A_118 = arith.constant 0 : i32
          %dma_start3A_119 = tpu.memref_slice %arg7[%add3A_104, %dma_start3A_118] : memref<8x128xi32, #tpu.memory_space<vmem>> -> memref<1x128xi32, #tpu.memory_space<vmem>>
          %dma_start3A_120 = tpu.memref_squeeze %dma_start3A_119 : memref<1x128xi32, #tpu.memory_space<vmem>> -> memref<128xi32, #tpu.memory_space<vmem>>
          %dma_start3A_121 = arith.constant 0 : i32
          %dma_start3A_122 = arith.constant 0 : i32
          %dma_start3A_123 = tpu.memref_slice %arg2[%dma_start3A_121, %dma_start3A_122] : memref<10000x128xf32, #tpu.memory_space<hbm>> -> memref<10000x128xf32, #tpu.memory_space<hbm>>
          tpu.enqueue_indirect_dma source(%dma_start3A_123 : memref<10000x128xf32, #tpu.memory_space<hbm>>) target(%arg10 : memref<128x128xf32, #tpu.memory_space<vmem>>) offsets(%dma_start3A_120 : memref<128xi32, #tpu.memory_space<vmem>>) semaphore(%arg13 : memref<!tpu.dma_semaphore, #tpu.memory_space<semaphore_mem>>)
        } else {
        }
      }
      %scan3A_46 = arith.constant 4 : i32
      %dma_wait3A = arith.constant 6 : i32
      %dma_wait3A_47 = arith.constant 0 : i32
      %dma_wait3A_48 = tpu.memref_slice %arg8[%dma_wait3A, %dma_wait3A_47] : memref<8x128xi32, #tpu.memory_space<vmem>> -> memref<1x128xi32, #tpu.memory_space<vmem>>
      %dma_wait3A_49 = tpu.memref_squeeze %dma_wait3A_48 : memref<1x128xi32, #tpu.memory_space<vmem>> -> memref<128xi32, #tpu.memory_space<vmem>>
      %dma_wait3A_50 = arith.constant 0 : i32
      %dma_wait3A_51 = arith.constant 0 : i32
      %dma_wait3A_52 = tpu.memref_slice %arg11[%dma_wait3A_50, %dma_wait3A_51] : memref<10112x128xf32, #tpu.memory_space<vmem_shared>> -> memref<10112x128xf32, #tpu.memory_space<vmem_shared>>
      tpu.wait_indirect_dma semaphore(%arg14 : memref<!tpu.dma_semaphore, #tpu.memory_space<semaphore_mem>>) src(%arg9 : memref<128x128xf32, #tpu.memory_space<vmem>>) dst(%dma_wait3A_52 : memref<10112x128xf32, #tpu.memory_space<vmem_shared>>)
      %dma_wait3A_53 = arith.constant 7 : i32
      %dma_wait3A_54 = arith.constant 0 : i32
      %dma_wait3A_55 = tpu.memref_slice %arg8[%dma_wait3A_53, %dma_wait3A_54] : memref<8x128xi32, #tpu.memory_space<vmem>> -> memref<1x128xi32, #tpu.memory_space<vmem>>
      %dma_wait3A_56 = tpu.memref_squeeze %dma_wait3A_55 : memref<1x128xi32, #tpu.memory_space<vmem>> -> memref<128xi32, #tpu.memory_space<vmem>>
      %dma_wait3A_57 = arith.constant 0 : i32
      %dma_wait3A_58 = arith.constant 0 : i32
      %dma_wait3A_59 = tpu.memref_slice %arg11[%dma_wait3A_57, %dma_wait3A_58] : memref<10112x128xf32, #tpu.memory_space<vmem_shared>> -> memref<10112x128xf32, #tpu.memory_space<vmem_shared>>
      tpu.wait_indirect_dma semaphore(%arg15 : memref<!tpu.dma_semaphore, #tpu.memory_space<semaphore_mem>>) src(%arg10 : memref<128x128xf32, #tpu.memory_space<vmem>>) dst(%dma_wait3A_59 : memref<10112x128xf32, #tpu.memory_space<vmem_shared>>)
    }
    %barrier3A_20 = arith.constant 0 : index
    tpu.barrier barrier_id(%barrier3A_20)
    %mul3A_21 = arith.constant 632 : i32
    %mul3A_22 = arith.muli %arg1, %mul3A_21 : i32
    %mul3A_23 = arith.constant 632 : i32
    %mul3A_24 = arith.muli %arg1, %mul3A_23 : i32
    "tpu.region"() ({
      %run_scoped3A = tpu.sem_alloc : memref<!tpu.dma_semaphore, #tpu.memory_space<semaphore_mem>>
      %dma_start3A = arith.constant 0 : i32
      %dma_start3A_25 = tpu.memref_slice %arg6[%arg0, %mul3A_24, %dma_start3A] : memref<2x10112x128xf32, #tpu.memory_space<hbm>> -> memref<1x632x128xf32, #tpu.memory_space<hbm>>
      %dma_start3A_26 = tpu.memref_squeeze %dma_start3A_25 : memref<1x632x128xf32, #tpu.memory_space<hbm>> -> memref<632x128xf32, #tpu.memory_space<hbm>>
      %dma_start3A_27 = arith.constant 0 : i32
      %dma_start3A_28 = tpu.memref_slice %arg11[%mul3A_22, %dma_start3A_27] : memref<10112x128xf32, #tpu.memory_space<vmem_shared>> -> memref<632x128xf32, #tpu.memory_space<vmem_shared>>
      tpu.enqueue_dma source(%dma_start3A_28 : memref<632x128xf32, #tpu.memory_space<vmem_shared>>) target(%dma_start3A_26 : memref<632x128xf32, #tpu.memory_space<hbm>>) target_semaphore(%run_scoped3A : memref<!tpu.dma_semaphore, #tpu.memory_space<semaphore_mem>>)
      %dma_wait3A = arith.constant 0 : i32
      %dma_wait3A_29 = tpu.memref_slice %arg6[%arg0, %mul3A_24, %dma_wait3A] : memref<2x10112x128xf32, #tpu.memory_space<hbm>> -> memref<1x632x128xf32, #tpu.memory_space<hbm>>
      %dma_wait3A_30 = tpu.memref_squeeze %dma_wait3A_29 : memref<1x632x128xf32, #tpu.memory_space<hbm>> -> memref<632x128xf32, #tpu.memory_space<hbm>>
      %dma_wait3A_31 = arith.constant 0 : i32
      %dma_wait3A_32 = tpu.memref_slice %arg11[%mul3A_22, %dma_wait3A_31] : memref<10112x128xf32, #tpu.memory_space<vmem_shared>> -> memref<632x128xf32, #tpu.memory_space<vmem_shared>>
      tpu.wait_dma2 semaphore(%run_scoped3A : memref<!tpu.dma_semaphore, #tpu.memory_space<semaphore_mem>>) src(%dma_wait3A_32 : memref<632x128xf32, #tpu.memory_space<vmem_shared>>) dst(%dma_wait3A_30 : memref<632x128xf32, #tpu.memory_space<hbm>>)
      tpu.yield
    }) : () -> ()
    return
  }
}

#map = affine_map<(d0, d1) -> (0, 0, 0)>
#map1 = affine_map<(d0, d1) -> (0, 0)>
module attributes {stable_mosaic.version = 14 : i64} {
  func.func @_deg_kernel(%arg0: i32, %arg1: i32, %arg2: memref<32x80x128xi32, #tpu.memory_space<hbm>>, %arg3: memref<128x16xf32, #tpu.memory_space<hbm>>, %arg4: memref<632x16xf32, #tpu.memory_space<hbm>>, %arg5: memref<2x10112x16xf32, #tpu.memory_space<hbm>>, %arg6: memref<80x128xi32, #tpu.memory_space<vmem>>, %arg7: memref<128x16xf32, #tpu.memory_space<vmem>>, %arg8: memref<10112x16xf32, #tpu.memory_space<vmem_shared>>) attributes {dimension_semantics = [#tpu.dimension_semantics<core_parallel>, #tpu.dimension_semantics<subcore_parallel>], iteration_bounds = array<i64: 2, 16>, scalar_prefetch = 0 : i64, scratch_operands = 3 : i64, tpu.core_type = #tpu.core_type<sc_vector_subcore>, window_params = [{transform_indices = #map}, {transform_indices = #map1}, {transform_indices = #map1}, {transform_indices = #map}]} {
    %mul3A = arith.constant 16 : i32
    %mul3A_0 = arith.muli %arg0, %mul3A : i32
    %add3A = arith.addi %mul3A_0, %arg1 : i32
    %mul3A_1 = arith.constant 632 : i32
    %mul3A_2 = arith.muli %arg1, %mul3A_1 : i32
    "tpu.region"() ({
      %run_scoped3A = tpu.sem_alloc : memref<!tpu.dma_semaphore, #tpu.memory_space<semaphore_mem>>
      %dma_start3A = arith.constant 0 : i32
      %dma_start3A_13 = tpu.memref_slice %arg8[%mul3A_2, %dma_start3A] : memref<10112x16xf32, #tpu.memory_space<vmem_shared>> -> memref<632x16xf32, #tpu.memory_space<vmem_shared>>
      tpu.enqueue_dma source(%arg4 : memref<632x16xf32, #tpu.memory_space<hbm>>) target(%dma_start3A_13 : memref<632x16xf32, #tpu.memory_space<vmem_shared>>) target_semaphore(%run_scoped3A : memref<!tpu.dma_semaphore, #tpu.memory_space<semaphore_mem>>)
      %dma_wait3A = arith.constant 0 : i32
      %dma_wait3A_14 = tpu.memref_slice %arg8[%mul3A_2, %dma_wait3A] : memref<10112x16xf32, #tpu.memory_space<vmem_shared>> -> memref<632x16xf32, #tpu.memory_space<vmem_shared>>
      tpu.wait_dma2 semaphore(%run_scoped3A : memref<!tpu.dma_semaphore, #tpu.memory_space<semaphore_mem>>) src(%arg4 : memref<632x16xf32, #tpu.memory_space<hbm>>) dst(%dma_wait3A_14 : memref<632x16xf32, #tpu.memory_space<vmem_shared>>)
      tpu.yield
    }) : () -> ()
    "tpu.region"() ({
      %run_scoped3A = tpu.sem_alloc : memref<!tpu.dma_semaphore, #tpu.memory_space<semaphore_mem>>
      %dma_start3A = arith.constant 0 : i32
      %dma_start3A_13 = arith.constant 0 : i32
      %dma_start3A_14 = tpu.memref_slice %arg2[%add3A, %dma_start3A, %dma_start3A_13] : memref<32x80x128xi32, #tpu.memory_space<hbm>> -> memref<1x80x128xi32, #tpu.memory_space<hbm>>
      %dma_start3A_15 = tpu.memref_squeeze %dma_start3A_14 : memref<1x80x128xi32, #tpu.memory_space<hbm>> -> memref<80x128xi32, #tpu.memory_space<hbm>>
      %dma_start3A_16 = arith.constant 0 : i32
      %dma_start3A_17 = arith.constant 0 : i32
      %dma_start3A_18 = tpu.memref_slice %arg2[%add3A, %dma_start3A_16, %dma_start3A_17] : memref<32x80x128xi32, #tpu.memory_space<hbm>> -> memref<1x80x128xi32, #tpu.memory_space<hbm>>
      %dma_start3A_19 = tpu.memref_squeeze %dma_start3A_18 : memref<1x80x128xi32, #tpu.memory_space<hbm>> -> memref<80x128xi32, #tpu.memory_space<hbm>>
      tpu.enqueue_dma source(%dma_start3A_19 : memref<80x128xi32, #tpu.memory_space<hbm>>) target(%arg6 : memref<80x128xi32, #tpu.memory_space<vmem>>) target_semaphore(%run_scoped3A : memref<!tpu.dma_semaphore, #tpu.memory_space<semaphore_mem>>)
      %dma_wait3A = arith.constant 0 : i32
      %dma_wait3A_20 = arith.constant 0 : i32
      %dma_wait3A_21 = tpu.memref_slice %arg2[%add3A, %dma_wait3A, %dma_wait3A_20] : memref<32x80x128xi32, #tpu.memory_space<hbm>> -> memref<1x80x128xi32, #tpu.memory_space<hbm>>
      %dma_wait3A_22 = tpu.memref_squeeze %dma_wait3A_21 : memref<1x80x128xi32, #tpu.memory_space<hbm>> -> memref<80x128xi32, #tpu.memory_space<hbm>>
      %dma_wait3A_23 = arith.constant 0 : i32
      %dma_wait3A_24 = arith.constant 0 : i32
      %dma_wait3A_25 = tpu.memref_slice %arg2[%add3A, %dma_wait3A_23, %dma_wait3A_24] : memref<32x80x128xi32, #tpu.memory_space<hbm>> -> memref<1x80x128xi32, #tpu.memory_space<hbm>>
      %dma_wait3A_26 = tpu.memref_squeeze %dma_wait3A_25 : memref<1x80x128xi32, #tpu.memory_space<hbm>> -> memref<80x128xi32, #tpu.memory_space<hbm>>
      tpu.wait_dma2 semaphore(%run_scoped3A : memref<!tpu.dma_semaphore, #tpu.memory_space<semaphore_mem>>) src(%dma_wait3A_26 : memref<80x128xi32, #tpu.memory_space<hbm>>) dst(%arg6 : memref<80x128xi32, #tpu.memory_space<vmem>>)
      tpu.yield
    }) : () -> ()
    "tpu.region"() ({
      %run_scoped3A = tpu.sem_alloc : memref<!tpu.dma_semaphore, #tpu.memory_space<semaphore_mem>>
      tpu.enqueue_dma source(%arg3 : memref<128x16xf32, #tpu.memory_space<hbm>>) target(%arg7 : memref<128x16xf32, #tpu.memory_space<vmem>>) target_semaphore(%run_scoped3A : memref<!tpu.dma_semaphore, #tpu.memory_space<semaphore_mem>>)
      tpu.wait_dma2 semaphore(%run_scoped3A : memref<!tpu.dma_semaphore, #tpu.memory_space<semaphore_mem>>) src(%arg3 : memref<128x16xf32, #tpu.memory_space<hbm>>) dst(%arg7 : memref<128x16xf32, #tpu.memory_space<vmem>>)
      tpu.yield
    }) : () -> ()
    %barrier3A = arith.constant 0 : index
    tpu.barrier barrier_id(%barrier3A)
    %scan3A = arith.constant 0 : i32
    %scan3A_3 = arith.constant 0 : i32
    %scan3A_4 = arith.constant 80 : i32
    %scan3A_5 = arith.addi %scan3A_3, %scan3A_4 : i32
    %scan3A_6 = arith.constant 1 : i32
    scf.for %scan3A_13 = %scan3A_3 to %scan3A_5 step %scan3A_6  : i32 {
      "tpu.region"() ({
        %run_scoped3A = tpu.sem_alloc : memref<!tpu.dma_semaphore, #tpu.memory_space<semaphore_mem>>
        %dma_start3A = arith.constant 0 : i32
        %dma_start3A_14 = tpu.memref_slice %arg6[%scan3A_13, %dma_start3A] : memref<80x128xi32, #tpu.memory_space<vmem>> -> memref<1x128xi32, #tpu.memory_space<vmem>>
        %dma_start3A_15 = tpu.memref_squeeze %dma_start3A_14 : memref<1x128xi32, #tpu.memory_space<vmem>> -> memref<128xi32, #tpu.memory_space<vmem>>
        %dma_start3A_16 = arith.constant 0 : i32
        %dma_start3A_17 = arith.constant 0 : i32
        %dma_start3A_18 = tpu.memref_slice %arg8[%dma_start3A_16, %dma_start3A_17] : memref<10112x16xf32, #tpu.memory_space<vmem_shared>> -> memref<10112x16xf32, #tpu.memory_space<vmem_shared>>
        tpu.enqueue_indirect_dma source(%arg7 : memref<128x16xf32, #tpu.memory_space<vmem>>) target(%dma_start3A_18 : memref<10112x16xf32, #tpu.memory_space<vmem_shared>>) offsets(%dma_start3A_15 : memref<128xi32, #tpu.memory_space<vmem>>) semaphore(%run_scoped3A : memref<!tpu.dma_semaphore, #tpu.memory_space<semaphore_mem>>) {add = true}
        %dma_wait3A = arith.constant 0 : i32
        %dma_wait3A_19 = tpu.memref_slice %arg6[%scan3A_13, %dma_wait3A] : memref<80x128xi32, #tpu.memory_space<vmem>> -> memref<1x128xi32, #tpu.memory_space<vmem>>
        %dma_wait3A_20 = tpu.memref_squeeze %dma_wait3A_19 : memref<1x128xi32, #tpu.memory_space<vmem>> -> memref<128xi32, #tpu.memory_space<vmem>>
        %dma_wait3A_21 = arith.constant 0 : i32
        %dma_wait3A_22 = arith.constant 0 : i32
        %dma_wait3A_23 = tpu.memref_slice %arg8[%dma_wait3A_21, %dma_wait3A_22] : memref<10112x16xf32, #tpu.memory_space<vmem_shared>> -> memref<10112x16xf32, #tpu.memory_space<vmem_shared>>
        tpu.wait_indirect_dma semaphore(%run_scoped3A : memref<!tpu.dma_semaphore, #tpu.memory_space<semaphore_mem>>) src(%arg7 : memref<128x16xf32, #tpu.memory_space<vmem>>) dst(%dma_wait3A_23 : memref<10112x16xf32, #tpu.memory_space<vmem_shared>>)
        tpu.yield
      }) : () -> ()
    }
    %scan3A_7 = arith.constant 80 : i32
    %barrier3A_8 = arith.constant 0 : index
    tpu.barrier barrier_id(%barrier3A_8)
    %mul3A_9 = arith.constant 632 : i32
    %mul3A_10 = arith.muli %arg1, %mul3A_9 : i32
    %mul3A_11 = arith.constant 632 : i32
    %mul3A_12 = arith.muli %arg1, %mul3A_11 : i32
    "tpu.region"() ({
      %run_scoped3A = tpu.sem_alloc : memref<!tpu.dma_semaphore, #tpu.memory_space<semaphore_mem>>
      %dma_start3A = arith.constant 0 : i32
      %dma_start3A_13 = tpu.memref_slice %arg5[%arg0, %mul3A_12, %dma_start3A] : memref<2x10112x16xf32, #tpu.memory_space<hbm>> -> memref<1x632x16xf32, #tpu.memory_space<hbm>>
      %dma_start3A_14 = tpu.memref_squeeze %dma_start3A_13 : memref<1x632x16xf32, #tpu.memory_space<hbm>> -> memref<632x16xf32, #tpu.memory_space<hbm>>
      %dma_start3A_15 = arith.constant 0 : i32
      %dma_start3A_16 = tpu.memref_slice %arg8[%mul3A_10, %dma_start3A_15] : memref<10112x16xf32, #tpu.memory_space<vmem_shared>> -> memref<632x16xf32, #tpu.memory_space<vmem_shared>>
      tpu.enqueue_dma source(%dma_start3A_16 : memref<632x16xf32, #tpu.memory_space<vmem_shared>>) target(%dma_start3A_14 : memref<632x16xf32, #tpu.memory_space<hbm>>) target_semaphore(%run_scoped3A : memref<!tpu.dma_semaphore, #tpu.memory_space<semaphore_mem>>)
      %dma_wait3A = arith.constant 0 : i32
      %dma_wait3A_17 = tpu.memref_slice %arg5[%arg0, %mul3A_12, %dma_wait3A] : memref<2x10112x16xf32, #tpu.memory_space<hbm>> -> memref<1x632x16xf32, #tpu.memory_space<hbm>>
      %dma_wait3A_18 = tpu.memref_squeeze %dma_wait3A_17 : memref<1x632x16xf32, #tpu.memory_space<hbm>> -> memref<632x16xf32, #tpu.memory_space<hbm>>
      %dma_wait3A_19 = arith.constant 0 : i32
      %dma_wait3A_20 = tpu.memref_slice %arg8[%mul3A_10, %dma_wait3A_19] : memref<10112x16xf32, #tpu.memory_space<vmem_shared>> -> memref<632x16xf32, #tpu.memory_space<vmem_shared>>
      tpu.wait_dma2 semaphore(%run_scoped3A : memref<!tpu.dma_semaphore, #tpu.memory_space<semaphore_mem>>) src(%dma_wait3A_20 : memref<632x16xf32, #tpu.memory_space<vmem_shared>>) dst(%dma_wait3A_18 : memref<632x16xf32, #tpu.memory_space<hbm>>)
      tpu.yield
    }) : () -> ()
    return
  }
}

#map = affine_map<(d0, d1) -> (0, 0)>
#map1 = affine_map<(d0, d1) -> (0, 0, 0)>
module attributes {stable_mosaic.version = 14 : i64} {
  func.func @agg(%arg0: i32, %arg1: i32, %arg2: memref<10000x128xf32, #tpu.memory_space<hbm>>, %arg3: memref<2560x128xi32, #tpu.memory_space<hbm>>, %arg4: memref<2560x128xi32, #tpu.memory_space<hbm>>, %arg5: memref<632x128xf32, #tpu.memory_space<hbm>>, %arg6: memref<2x10112x128xf32, #tpu.memory_space<hbm>>, %arg7: memref<8x128xi32, #tpu.memory_space<vmem>>, %arg8: memref<8x128xi32, #tpu.memory_space<vmem>>, %arg9: memref<128x128xf32, #tpu.memory_space<vmem>>, %arg10: memref<128x128xf32, #tpu.memory_space<vmem>>, %arg11: memref<10112x128xf32, #tpu.memory_space<vmem_shared>>, %arg12: memref<!tpu.dma_semaphore, #tpu.memory_space<semaphore_mem>>, %arg13: memref<!tpu.dma_semaphore, #tpu.memory_space<semaphore_mem>>, %arg14: memref<!tpu.dma_semaphore, #tpu.memory_space<semaphore_mem>>, %arg15: memref<!tpu.dma_semaphore, #tpu.memory_space<semaphore_mem>>) attributes {dimension_semantics = [#tpu.dimension_semantics<core_parallel>, #tpu.dimension_semantics<subcore_parallel>], iteration_bounds = array<i64: 2, 16>, scalar_prefetch = 0 : i64, scratch_operands = 9 : i64, tpu.core_type = #tpu.core_type<sc_vector_subcore>, window_params = [{transform_indices = #map}, {transform_indices = #map}, {transform_indices = #map}, {transform_indices = #map}, {transform_indices = #map1}]} {
    %eq3A = arith.constant 0 : i32
    %eq3A_0 = arith.cmpi eq, %arg0, %eq3A : i32
    %mul3A = arith.constant 120 : i32
    %mul3A_1 = arith.muli %arg1, %mul3A : i32
    %mul3A_2 = arith.constant 40 : i32
    %mul3A_3 = arith.muli %arg1, %mul3A_2 : i32
    %add3A = arith.constant 1920 : i32
    %add3A_4 = arith.addi %add3A, %mul3A_3 : i32
    %select_n3A = arith.select %eq3A_0, %mul3A_1, %add3A_4 : i32
    %eq3A_5 = arith.constant 0 : i32
    %eq3A_6 = arith.cmpi eq, %arg0, %eq3A_5 : i32
    %jit3A = arith.constant 15 : i32
    %jit3A_7 = arith.constant 5 : i32
    %select_n3A_8 = arith.select %eq3A_6, %jit3A, %jit3A_7 : i32
    %mul3A_9 = arith.constant 632 : i32
    %mul3A_10 = arith.muli %arg1, %mul3A_9 : i32
    "tpu.region"() ({
      %run_scoped3A = tpu.sem_alloc : memref<!tpu.dma_semaphore, #tpu.memory_space<semaphore_mem>>
      %dma_start3A = arith.constant 0 : i32
      %dma_start3A_25 = tpu.memref_slice %arg11[%mul3A_10, %dma_start3A] : memref<10112x128xf32, #tpu.memory_space<vmem_shared>> -> memref<632x128xf32, #tpu.memory_space<vmem_shared>>
      tpu.enqueue_dma source(%arg5 : memref<632x128xf32, #tpu.memory_space<hbm>>) target(%dma_start3A_25 : memref<632x128xf32, #tpu.memory_space<vmem_shared>>) target_semaphore(%run_scoped3A : memref<!tpu.dma_semaphore, #tpu.memory_space<semaphore_mem>>)
      %dma_wait3A = arith.constant 0 : i32
      %dma_wait3A_26 = tpu.memref_slice %arg11[%mul3A_10, %dma_wait3A] : memref<10112x128xf32, #tpu.memory_space<vmem_shared>> -> memref<632x128xf32, #tpu.memory_space<vmem_shared>>
      tpu.wait_dma2 semaphore(%run_scoped3A : memref<!tpu.dma_semaphore, #tpu.memory_space<semaphore_mem>>) src(%arg5 : memref<632x128xf32, #tpu.memory_space<hbm>>) dst(%dma_wait3A_26 : memref<632x128xf32, #tpu.memory_space<vmem_shared>>)
      tpu.yield
    }) : () -> ()
    %barrier3A = arith.constant 0 : index
    tpu.barrier barrier_id(%barrier3A)
    %while3A = arith.constant 0 : i32
    %while3A_11 = arith.constant 0 : i32
    %while3A_12 = arith.subi %select_n3A_8, %while3A_11 : i32
    %while3A_13 = arith.addi %while3A_11, %while3A_12 : i32
    %while3A_14 = arith.constant 1 : i32
    %while3A_15 = arith.divsi %while3A_12, %while3A_14 : i32
    %while3A_16 = arith.muli %while3A_15, %while3A_14 : i32
    %while3A_17 = arith.addi %while3A_11, %while3A_16 : i32
    %while3A_18 = arith.constant 1 : i32
    scf.for %while3A_25 = %while3A_11 to %while3A_17 step %while3A_18  : i32 {
      %mul3A_26 = arith.constant 8 : i32
      %mul3A_27 = arith.muli %while3A_25, %mul3A_26 : i32
      %add3A_28 = arith.addi %select_n3A, %mul3A_27 : i32
      "tpu.region"() ({
        %run_scoped3A = tpu.sem_alloc : memref<!tpu.dma_semaphore, #tpu.memory_space<semaphore_mem>>
        %dma_start3A_60 = arith.constant 0 : i32
        %dma_start3A_61 = tpu.memref_slice %arg3[%add3A_28, %dma_start3A_60] : memref<2560x128xi32, #tpu.memory_space<hbm>> -> memref<8x128xi32, #tpu.memory_space<hbm>>
        %dma_start3A_62 = arith.constant 0 : i32
        %dma_start3A_63 = tpu.memref_slice %arg3[%add3A_28, %dma_start3A_62] : memref<2560x128xi32, #tpu.memory_space<hbm>> -> memref<8x128xi32, #tpu.memory_space<hbm>>
        tpu.enqueue_dma source(%dma_start3A_63 : memref<8x128xi32, #tpu.memory_space<hbm>>) target(%arg7 : memref<8x128xi32, #tpu.memory_space<vmem>>) target_semaphore(%run_scoped3A : memref<!tpu.dma_semaphore, #tpu.memory_space<semaphore_mem>>)
        %dma_wait3A_64 = arith.constant 0 : i32
        %dma_wait3A_65 = tpu.memref_slice %arg3[%add3A_28, %dma_wait3A_64] : memref<2560x128xi32, #tpu.memory_space<hbm>> -> memref<8x128xi32, #tpu.memory_space<hbm>>
        %dma_wait3A_66 = arith.constant 0 : i32
        %dma_wait3A_67 = tpu.memref_slice %arg3[%add3A_28, %dma_wait3A_66] : memref<2560x128xi32, #tpu.memory_space<hbm>> -> memref<8x128xi32, #tpu.memory_space<hbm>>
        tpu.wait_dma2 semaphore(%run_scoped3A : memref<!tpu.dma_semaphore, #tpu.memory_space<semaphore_mem>>) src(%dma_wait3A_67 : memref<8x128xi32, #tpu.memory_space<hbm>>) dst(%arg7 : memref<8x128xi32, #tpu.memory_space<vmem>>)
        tpu.yield
      }) : () -> ()
      "tpu.region"() ({
        %run_scoped3A = tpu.sem_alloc : memref<!tpu.dma_semaphore, #tpu.memory_space<semaphore_mem>>
        %dma_start3A_60 = arith.constant 0 : i32
        %dma_start3A_61 = tpu.memref_slice %arg4[%add3A_28, %dma_start3A_60] : memref<2560x128xi32, #tpu.memory_space<hbm>> -> memref<8x128xi32, #tpu.memory_space<hbm>>
        %dma_start3A_62 = arith.constant 0 : i32
        %dma_start3A_63 = tpu.memref_slice %arg4[%add3A_28, %dma_start3A_62] : memref<2560x128xi32, #tpu.memory_space<hbm>> -> memref<8x128xi32, #tpu.memory_space<hbm>>
        tpu.enqueue_dma source(%dma_start3A_63 : memref<8x128xi32, #tpu.memory_space<hbm>>) target(%arg8 : memref<8x128xi32, #tpu.memory_space<vmem>>) target_semaphore(%run_scoped3A : memref<!tpu.dma_semaphore, #tpu.memory_space<semaphore_mem>>)
        %dma_wait3A_64 = arith.constant 0 : i32
        %dma_wait3A_65 = tpu.memref_slice %arg4[%add3A_28, %dma_wait3A_64] : memref<2560x128xi32, #tpu.memory_space<hbm>> -> memref<8x128xi32, #tpu.memory_space<hbm>>
        %dma_wait3A_66 = arith.constant 0 : i32
        %dma_wait3A_67 = tpu.memref_slice %arg4[%add3A_28, %dma_wait3A_66] : memref<2560x128xi32, #tpu.memory_space<hbm>> -> memref<8x128xi32, #tpu.memory_space<hbm>>
        tpu.wait_dma2 semaphore(%run_scoped3A : memref<!tpu.dma_semaphore, #tpu.memory_space<semaphore_mem>>) src(%dma_wait3A_67 : memref<8x128xi32, #tpu.memory_space<hbm>>) dst(%arg8 : memref<8x128xi32, #tpu.memory_space<vmem>>)
        tpu.yield
      }) : () -> ()
      %dma_start3A = arith.constant 0 : i32
      %dma_start3A_29 = arith.constant 0 : i32
      %dma_start3A_30 = tpu.memref_slice %arg7[%dma_start3A, %dma_start3A_29] : memref<8x128xi32, #tpu.memory_space<vmem>> -> memref<1x128xi32, #tpu.memory_space<vmem>>
      %dma_start3A_31 = tpu.memref_squeeze %dma_start3A_30 : memref<1x128xi32, #tpu.memory_space<vmem>> -> memref<128xi32, #tpu.memory_space<vmem>>
      %dma_start3A_32 = arith.constant 0 : i32
      %dma_start3A_33 = arith.constant 0 : i32
      %dma_start3A_34 = tpu.memref_slice %arg2[%dma_start3A_32, %dma_start3A_33] : memref<10000x128xf32, #tpu.memory_space<hbm>> -> memref<10000x128xf32, #tpu.memory_space<hbm>>
      tpu.enqueue_indirect_dma source(%dma_start3A_34 : memref<10000x128xf32, #tpu.memory_space<hbm>>) target(%arg9 : memref<128x128xf32, #tpu.memory_space<vmem>>) offsets(%dma_start3A_31 : memref<128xi32, #tpu.memory_space<vmem>>) semaphore(%arg12 : memref<!tpu.dma_semaphore, #tpu.memory_space<semaphore_mem>>)
      %dma_start3A_35 = arith.constant 1 : i32
      %dma_start3A_36 = arith.constant 0 : i32
      %dma_start3A_37 = tpu.memref_slice %arg7[%dma_start3A_35, %dma_start3A_36] : memref<8x128xi32, #tpu.memory_space<vmem>> -> memref<1x128xi32, #tpu.memory_space<vmem>>
      %dma_start3A_38 = tpu.memref_squeeze %dma_start3A_37 : memref<1x128xi32, #tpu.memory_space<vmem>> -> memref<128xi32, #tpu.memory_space<vmem>>
      %dma_start3A_39 = arith.constant 0 : i32
      %dma_start3A_40 = arith.constant 0 : i32
      %dma_start3A_41 = tpu.memref_slice %arg2[%dma_start3A_39, %dma_start3A_40] : memref<10000x128xf32, #tpu.memory_space<hbm>> -> memref<10000x128xf32, #tpu.memory_space<hbm>>
      tpu.enqueue_indirect_dma source(%dma_start3A_41 : memref<10000x128xf32, #tpu.memory_space<hbm>>) target(%arg10 : memref<128x128xf32, #tpu.memory_space<vmem>>) offsets(%dma_start3A_38 : memref<128xi32, #tpu.memory_space<vmem>>) semaphore(%arg13 : memref<!tpu.dma_semaphore, #tpu.memory_space<semaphore_mem>>)
      %scan3A = arith.constant 0 : i32
      %scan3A_42 = arith.constant 0 : i32
      %scan3A_43 = arith.constant 4 : i32
      %scan3A_44 = arith.addi %scan3A_42, %scan3A_43 : i32
      %scan3A_45 = arith.constant 1 : i32
      scf.for %scan3A_60 = %scan3A_42 to %scan3A_44 step %scan3A_45  : i32 {
        %mul3A_61 = arith.constant 2 : i32
        %mul3A_62 = arith.muli %scan3A_60, %mul3A_61 : i32
        %add3A_63 = arith.constant 0 : i32
        %add3A_64 = arith.addi %mul3A_62, %add3A_63 : i32
        %dma_wait3A_65 = arith.constant 0 : i32
        %dma_wait3A_66 = tpu.memref_slice %arg7[%add3A_64, %dma_wait3A_65] : memref<8x128xi32, #tpu.memory_space<vmem>> -> memref<1x128xi32, #tpu.memory_space<vmem>>
        %dma_wait3A_67 = tpu.memref_squeeze %dma_wait3A_66 : memref<1x128xi32, #tpu.memory_space<vmem>> -> memref<128xi32, #tpu.memory_space<vmem>>
        %dma_wait3A_68 = arith.constant 0 : i32
        %dma_wait3A_69 = arith.constant 0 : i32
        %dma_wait3A_70 = tpu.memref_slice %arg2[%dma_wait3A_68, %dma_wait3A_69] : memref<10000x128xf32, #tpu.memory_space<hbm>> -> memref<10000x128xf32, #tpu.memory_space<hbm>>
        tpu.wait_indirect_dma semaphore(%arg12 : memref<!tpu.dma_semaphore, #tpu.memory_space<semaphore_mem>>) src(%dma_wait3A_70 : memref<10000x128xf32, #tpu.memory_space<hbm>>) dst(%arg9 : memref<128x128xf32, #tpu.memory_space<vmem>>)
        %add3A_71 = arith.constant 0 : i32
        %add3A_72 = arith.addi %mul3A_62, %add3A_71 : i32
        %dma_start3A_73 = arith.constant 0 : i32
        %dma_start3A_74 = tpu.memref_slice %arg8[%add3A_72, %dma_start3A_73] : memref<8x128xi32, #tpu.memory_space<vmem>> -> memref<1x128xi32, #tpu.memory_space<vmem>>
        %dma_start3A_75 = tpu.memref_squeeze %dma_start3A_74 : memref<1x128xi32, #tpu.memory_space<vmem>> -> memref<128xi32, #tpu.memory_space<vmem>>
        %dma_start3A_76 = arith.constant 0 : i32
        %dma_start3A_77 = arith.constant 0 : i32
        %dma_start3A_78 = tpu.memref_slice %arg11[%dma_start3A_76, %dma_start3A_77] : memref<10112x128xf32, #tpu.memory_space<vmem_shared>> -> memref<10112x128xf32, #tpu.memory_space<vmem_shared>>
        tpu.enqueue_indirect_dma source(%arg9 : memref<128x128xf32, #tpu.memory_space<vmem>>) target(%dma_start3A_78 : memref<10112x128xf32, #tpu.memory_space<vmem_shared>>) offsets(%dma_start3A_75 : memref<128xi32, #tpu.memory_space<vmem>>) semaphore(%arg14 : memref<!tpu.dma_semaphore, #tpu.memory_space<semaphore_mem>>) {add = true}
        %add3A_79 = arith.constant 1 : i32
        %add3A_80 = arith.addi %mul3A_62, %add3A_79 : i32
        %dma_wait3A_81 = arith.constant 0 : i32
        %dma_wait3A_82 = tpu.memref_slice %arg7[%add3A_80, %dma_wait3A_81] : memref<8x128xi32, #tpu.memory_space<vmem>> -> memref<1x128xi32, #tpu.memory_space<vmem>>
        %dma_wait3A_83 = tpu.memref_squeeze %dma_wait3A_82 : memref<1x128xi32, #tpu.memory_space<vmem>> -> memref<128xi32, #tpu.memory_space<vmem>>
        %dma_wait3A_84 = arith.constant 0 : i32
        %dma_wait3A_85 = arith.constant 0 : i32
        %dma_wait3A_86 = tpu.memref_slice %arg2[%dma_wait3A_84, %dma_wait3A_85] : memref<10000x128xf32, #tpu.memory_space<hbm>> -> memref<10000x128xf32, #tpu.memory_space<hbm>>
        tpu.wait_indirect_dma semaphore(%arg13 : memref<!tpu.dma_semaphore, #tpu.memory_space<semaphore_mem>>) src(%dma_wait3A_86 : memref<10000x128xf32, #tpu.memory_space<hbm>>) dst(%arg10 : memref<128x128xf32, #tpu.memory_space<vmem>>)
        %add3A_87 = arith.constant 1 : i32
        %add3A_88 = arith.addi %mul3A_62, %add3A_87 : i32
        %dma_start3A_89 = arith.constant 0 : i32
        %dma_start3A_90 = tpu.memref_slice %arg8[%add3A_88, %dma_start3A_89] : memref<8x128xi32, #tpu.memory_space<vmem>> -> memref<1x128xi32, #tpu.memory_space<vmem>>
        %dma_start3A_91 = tpu.memref_squeeze %dma_start3A_90 : memref<1x128xi32, #tpu.memory_space<vmem>> -> memref<128xi32, #tpu.memory_space<vmem>>
        %dma_start3A_92 = arith.constant 0 : i32
        %dma_start3A_93 = arith.constant 0 : i32
        %dma_start3A_94 = tpu.memref_slice %arg11[%dma_start3A_92, %dma_start3A_93] : memref<10112x128xf32, #tpu.memory_space<vmem_shared>> -> memref<10112x128xf32, #tpu.memory_space<vmem_shared>>
        tpu.enqueue_indirect_dma source(%arg10 : memref<128x128xf32, #tpu.memory_space<vmem>>) target(%dma_start3A_94 : memref<10112x128xf32, #tpu.memory_space<vmem_shared>>) offsets(%dma_start3A_91 : memref<128xi32, #tpu.memory_space<vmem>>) semaphore(%arg15 : memref<!tpu.dma_semaphore, #tpu.memory_space<semaphore_mem>>) {add = true}
        %add3A_95 = arith.constant 2 : i32
        %add3A_96 = arith.addi %mul3A_62, %add3A_95 : i32
        %add3A_97 = arith.constant 0 : i32
        %add3A_98 = arith.addi %add3A_96, %add3A_97 : i32
        %lt3A = arith.constant 8 : i32
        %lt3A_99 = arith.cmpi slt, %add3A_98, %lt3A : i32
        %convert_element_type3A = arith.extui %lt3A_99 : i1 to i32
        %cond3A = arith.constant 0 : i32
        %cond3A_100 = arith.cmpi ne, %convert_element_type3A, %cond3A : i32
        scf.if %cond3A_100 {
          %add3A_110 = arith.constant 0 : i32
          %add3A_111 = arith.addi %mul3A_62, %add3A_110 : i32
          %dma_wait3A_112 = arith.constant 0 : i32
          %dma_wait3A_113 = tpu.memref_slice %arg8[%add3A_111, %dma_wait3A_112] : memref<8x128xi32, #tpu.memory_space<vmem>> -> memref<1x128xi32, #tpu.memory_space<vmem>>
          %dma_wait3A_114 = tpu.memref_squeeze %dma_wait3A_113 : memref<1x128xi32, #tpu.memory_space<vmem>> -> memref<128xi32, #tpu.memory_space<vmem>>
          %dma_wait3A_115 = arith.constant 0 : i32
          %dma_wait3A_116 = arith.constant 0 : i32
          %dma_wait3A_117 = tpu.memref_slice %arg11[%dma_wait3A_115, %dma_wait3A_116] : memref<10112x128xf32, #tpu.memory_space<vmem_shared>> -> memref<10112x128xf32, #tpu.memory_space<vmem_shared>>
          tpu.wait_indirect_dma semaphore(%arg14 : memref<!tpu.dma_semaphore, #tpu.memory_space<semaphore_mem>>) src(%arg9 : memref<128x128xf32, #tpu.memory_space<vmem>>) dst(%dma_wait3A_117 : memref<10112x128xf32, #tpu.memory_space<vmem_shared>>)
          %dma_start3A_118 = arith.constant 0 : i32
          %dma_start3A_119 = tpu.memref_slice %arg7[%add3A_98, %dma_start3A_118] : memref<8x128xi32, #tpu.memory_space<vmem>> -> memref<1x128xi32, #tpu.memory_space<vmem>>
          %dma_start3A_120 = tpu.memref_squeeze %dma_start3A_119 : memref<1x128xi32, #tpu.memory_space<vmem>> -> memref<128xi32, #tpu.memory_space<vmem>>
          %dma_start3A_121 = arith.constant 0 : i32
          %dma_start3A_122 = arith.constant 0 : i32
          %dma_start3A_123 = tpu.memref_slice %arg2[%dma_start3A_121, %dma_start3A_122] : memref<10000x128xf32, #tpu.memory_space<hbm>> -> memref<10000x128xf32, #tpu.memory_space<hbm>>
          tpu.enqueue_indirect_dma source(%dma_start3A_123 : memref<10000x128xf32, #tpu.memory_space<hbm>>) target(%arg9 : memref<128x128xf32, #tpu.memory_space<vmem>>) offsets(%dma_start3A_120 : memref<128xi32, #tpu.memory_space<vmem>>) semaphore(%arg12 : memref<!tpu.dma_semaphore, #tpu.memory_space<semaphore_mem>>)
        } else {
        }
        %add3A_101 = arith.constant 2 : i32
        %add3A_102 = arith.addi %mul3A_62, %add3A_101 : i32
        %add3A_103 = arith.constant 1 : i32
        %add3A_104 = arith.addi %add3A_102, %add3A_103 : i32
        %lt3A_105 = arith.constant 8 : i32
        %lt3A_106 = arith.cmpi slt, %add3A_104, %lt3A_105 : i32
        %convert_element_type3A_107 = arith.extui %lt3A_106 : i1 to i32
        %cond3A_108 = arith.constant 0 : i32
        %cond3A_109 = arith.cmpi ne, %convert_element_type3A_107, %cond3A_108 : i32
        scf.if %cond3A_109 {
          %add3A_110 = arith.constant 1 : i32
          %add3A_111 = arith.addi %mul3A_62, %add3A_110 : i32
          %dma_wait3A_112 = arith.constant 0 : i32
          %dma_wait3A_113 = tpu.memref_slice %arg8[%add3A_111, %dma_wait3A_112] : memref<8x128xi32, #tpu.memory_space<vmem>> -> memref<1x128xi32, #tpu.memory_space<vmem>>
          %dma_wait3A_114 = tpu.memref_squeeze %dma_wait3A_113 : memref<1x128xi32, #tpu.memory_space<vmem>> -> memref<128xi32, #tpu.memory_space<vmem>>
          %dma_wait3A_115 = arith.constant 0 : i32
          %dma_wait3A_116 = arith.constant 0 : i32
          %dma_wait3A_117 = tpu.memref_slice %arg11[%dma_wait3A_115, %dma_wait3A_116] : memref<10112x128xf32, #tpu.memory_space<vmem_shared>> -> memref<10112x128xf32, #tpu.memory_space<vmem_shared>>
          tpu.wait_indirect_dma semaphore(%arg15 : memref<!tpu.dma_semaphore, #tpu.memory_space<semaphore_mem>>) src(%arg10 : memref<128x128xf32, #tpu.memory_space<vmem>>) dst(%dma_wait3A_117 : memref<10112x128xf32, #tpu.memory_space<vmem_shared>>)
          %dma_start3A_118 = arith.constant 0 : i32
          %dma_start3A_119 = tpu.memref_slice %arg7[%add3A_104, %dma_start3A_118] : memref<8x128xi32, #tpu.memory_space<vmem>> -> memref<1x128xi32, #tpu.memory_space<vmem>>
          %dma_start3A_120 = tpu.memref_squeeze %dma_start3A_119 : memref<1x128xi32, #tpu.memory_space<vmem>> -> memref<128xi32, #tpu.memory_space<vmem>>
          %dma_start3A_121 = arith.constant 0 : i32
          %dma_start3A_122 = arith.constant 0 : i32
          %dma_start3A_123 = tpu.memref_slice %arg2[%dma_start3A_121, %dma_start3A_122] : memref<10000x128xf32, #tpu.memory_space<hbm>> -> memref<10000x128xf32, #tpu.memory_space<hbm>>
          tpu.enqueue_indirect_dma source(%dma_start3A_123 : memref<10000x128xf32, #tpu.memory_space<hbm>>) target(%arg10 : memref<128x128xf32, #tpu.memory_space<vmem>>) offsets(%dma_start3A_120 : memref<128xi32, #tpu.memory_space<vmem>>) semaphore(%arg13 : memref<!tpu.dma_semaphore, #tpu.memory_space<semaphore_mem>>)
        } else {
        }
      }
      %scan3A_46 = arith.constant 4 : i32
      %dma_wait3A = arith.constant 6 : i32
      %dma_wait3A_47 = arith.constant 0 : i32
      %dma_wait3A_48 = tpu.memref_slice %arg8[%dma_wait3A, %dma_wait3A_47] : memref<8x128xi32, #tpu.memory_space<vmem>> -> memref<1x128xi32, #tpu.memory_space<vmem>>
      %dma_wait3A_49 = tpu.memref_squeeze %dma_wait3A_48 : memref<1x128xi32, #tpu.memory_space<vmem>> -> memref<128xi32, #tpu.memory_space<vmem>>
      %dma_wait3A_50 = arith.constant 0 : i32
      %dma_wait3A_51 = arith.constant 0 : i32
      %dma_wait3A_52 = tpu.memref_slice %arg11[%dma_wait3A_50, %dma_wait3A_51] : memref<10112x128xf32, #tpu.memory_space<vmem_shared>> -> memref<10112x128xf32, #tpu.memory_space<vmem_shared>>
      tpu.wait_indirect_dma semaphore(%arg14 : memref<!tpu.dma_semaphore, #tpu.memory_space<semaphore_mem>>) src(%arg9 : memref<128x128xf32, #tpu.memory_space<vmem>>) dst(%dma_wait3A_52 : memref<10112x128xf32, #tpu.memory_space<vmem_shared>>)
      %dma_wait3A_53 = arith.constant 7 : i32
      %dma_wait3A_54 = arith.constant 0 : i32
      %dma_wait3A_55 = tpu.memref_slice %arg8[%dma_wait3A_53, %dma_wait3A_54] : memref<8x128xi32, #tpu.memory_space<vmem>> -> memref<1x128xi32, #tpu.memory_space<vmem>>
      %dma_wait3A_56 = tpu.memref_squeeze %dma_wait3A_55 : memref<1x128xi32, #tpu.memory_space<vmem>> -> memref<128xi32, #tpu.memory_space<vmem>>
      %dma_wait3A_57 = arith.constant 0 : i32
      %dma_wait3A_58 = arith.constant 0 : i32
      %dma_wait3A_59 = tpu.memref_slice %arg11[%dma_wait3A_57, %dma_wait3A_58] : memref<10112x128xf32, #tpu.memory_space<vmem_shared>> -> memref<10112x128xf32, #tpu.memory_space<vmem_shared>>
      tpu.wait_indirect_dma semaphore(%arg15 : memref<!tpu.dma_semaphore, #tpu.memory_space<semaphore_mem>>) src(%arg10 : memref<128x128xf32, #tpu.memory_space<vmem>>) dst(%dma_wait3A_59 : memref<10112x128xf32, #tpu.memory_space<vmem_shared>>)
    }
    %while3A_19 = arith.constant 1 : i32
    scf.for %while3A_25 = %while3A_17 to %while3A_13 step %while3A_19  : i32 {
      %mul3A_26 = arith.constant 8 : i32
      %mul3A_27 = arith.muli %while3A_25, %mul3A_26 : i32
      %add3A_28 = arith.addi %select_n3A, %mul3A_27 : i32
      "tpu.region"() ({
        %run_scoped3A = tpu.sem_alloc : memref<!tpu.dma_semaphore, #tpu.memory_space<semaphore_mem>>
        %dma_start3A_60 = arith.constant 0 : i32
        %dma_start3A_61 = tpu.memref_slice %arg3[%add3A_28, %dma_start3A_60] : memref<2560x128xi32, #tpu.memory_space<hbm>> -> memref<8x128xi32, #tpu.memory_space<hbm>>
        %dma_start3A_62 = arith.constant 0 : i32
        %dma_start3A_63 = tpu.memref_slice %arg3[%add3A_28, %dma_start3A_62] : memref<2560x128xi32, #tpu.memory_space<hbm>> -> memref<8x128xi32, #tpu.memory_space<hbm>>
        tpu.enqueue_dma source(%dma_start3A_63 : memref<8x128xi32, #tpu.memory_space<hbm>>) target(%arg7 : memref<8x128xi32, #tpu.memory_space<vmem>>) target_semaphore(%run_scoped3A : memref<!tpu.dma_semaphore, #tpu.memory_space<semaphore_mem>>)
        %dma_wait3A_64 = arith.constant 0 : i32
        %dma_wait3A_65 = tpu.memref_slice %arg3[%add3A_28, %dma_wait3A_64] : memref<2560x128xi32, #tpu.memory_space<hbm>> -> memref<8x128xi32, #tpu.memory_space<hbm>>
        %dma_wait3A_66 = arith.constant 0 : i32
        %dma_wait3A_67 = tpu.memref_slice %arg3[%add3A_28, %dma_wait3A_66] : memref<2560x128xi32, #tpu.memory_space<hbm>> -> memref<8x128xi32, #tpu.memory_space<hbm>>
        tpu.wait_dma2 semaphore(%run_scoped3A : memref<!tpu.dma_semaphore, #tpu.memory_space<semaphore_mem>>) src(%dma_wait3A_67 : memref<8x128xi32, #tpu.memory_space<hbm>>) dst(%arg7 : memref<8x128xi32, #tpu.memory_space<vmem>>)
        tpu.yield
      }) : () -> ()
      "tpu.region"() ({
        %run_scoped3A = tpu.sem_alloc : memref<!tpu.dma_semaphore, #tpu.memory_space<semaphore_mem>>
        %dma_start3A_60 = arith.constant 0 : i32
        %dma_start3A_61 = tpu.memref_slice %arg4[%add3A_28, %dma_start3A_60] : memref<2560x128xi32, #tpu.memory_space<hbm>> -> memref<8x128xi32, #tpu.memory_space<hbm>>
        %dma_start3A_62 = arith.constant 0 : i32
        %dma_start3A_63 = tpu.memref_slice %arg4[%add3A_28, %dma_start3A_62] : memref<2560x128xi32, #tpu.memory_space<hbm>> -> memref<8x128xi32, #tpu.memory_space<hbm>>
        tpu.enqueue_dma source(%dma_start3A_63 : memref<8x128xi32, #tpu.memory_space<hbm>>) target(%arg8 : memref<8x128xi32, #tpu.memory_space<vmem>>) target_semaphore(%run_scoped3A : memref<!tpu.dma_semaphore, #tpu.memory_space<semaphore_mem>>)
        %dma_wait3A_64 = arith.constant 0 : i32
        %dma_wait3A_65 = tpu.memref_slice %arg4[%add3A_28, %dma_wait3A_64] : memref<2560x128xi32, #tpu.memory_space<hbm>> -> memref<8x128xi32, #tpu.memory_space<hbm>>
        %dma_wait3A_66 = arith.constant 0 : i32
        %dma_wait3A_67 = tpu.memref_slice %arg4[%add3A_28, %dma_wait3A_66] : memref<2560x128xi32, #tpu.memory_space<hbm>> -> memref<8x128xi32, #tpu.memory_space<hbm>>
        tpu.wait_dma2 semaphore(%run_scoped3A : memref<!tpu.dma_semaphore, #tpu.memory_space<semaphore_mem>>) src(%dma_wait3A_67 : memref<8x128xi32, #tpu.memory_space<hbm>>) dst(%arg8 : memref<8x128xi32, #tpu.memory_space<vmem>>)
        tpu.yield
      }) : () -> ()
      %dma_start3A = arith.constant 0 : i32
      %dma_start3A_29 = arith.constant 0 : i32
      %dma_start3A_30 = tpu.memref_slice %arg7[%dma_start3A, %dma_start3A_29] : memref<8x128xi32, #tpu.memory_space<vmem>> -> memref<1x128xi32, #tpu.memory_space<vmem>>
      %dma_start3A_31 = tpu.memref_squeeze %dma_start3A_30 : memref<1x128xi32, #tpu.memory_space<vmem>> -> memref<128xi32, #tpu.memory_space<vmem>>
      %dma_start3A_32 = arith.constant 0 : i32
      %dma_start3A_33 = arith.constant 0 : i32
      %dma_start3A_34 = tpu.memref_slice %arg2[%dma_start3A_32, %dma_start3A_33] : memref<10000x128xf32, #tpu.memory_space<hbm>> -> memref<10000x128xf32, #tpu.memory_space<hbm>>
      tpu.enqueue_indirect_dma source(%dma_start3A_34 : memref<10000x128xf32, #tpu.memory_space<hbm>>) target(%arg9 : memref<128x128xf32, #tpu.memory_space<vmem>>) offsets(%dma_start3A_31 : memref<128xi32, #tpu.memory_space<vmem>>) semaphore(%arg12 : memref<!tpu.dma_semaphore, #tpu.memory_space<semaphore_mem>>)
      %dma_start3A_35 = arith.constant 1 : i32
      %dma_start3A_36 = arith.constant 0 : i32
      %dma_start3A_37 = tpu.memref_slice %arg7[%dma_start3A_35, %dma_start3A_36] : memref<8x128xi32, #tpu.memory_space<vmem>> -> memref<1x128xi32, #tpu.memory_space<vmem>>
      %dma_start3A_38 = tpu.memref_squeeze %dma_start3A_37 : memref<1x128xi32, #tpu.memory_space<vmem>> -> memref<128xi32, #tpu.memory_space<vmem>>
      %dma_start3A_39 = arith.constant 0 : i32
      %dma_start3A_40 = arith.constant 0 : i32
      %dma_start3A_41 = tpu.memref_slice %arg2[%dma_start3A_39, %dma_start3A_40] : memref<10000x128xf32, #tpu.memory_space<hbm>> -> memref<10000x128xf32, #tpu.memory_space<hbm>>
      tpu.enqueue_indirect_dma source(%dma_start3A_41 : memref<10000x128xf32, #tpu.memory_space<hbm>>) target(%arg10 : memref<128x128xf32, #tpu.memory_space<vmem>>) offsets(%dma_start3A_38 : memref<128xi32, #tpu.memory_space<vmem>>) semaphore(%arg13 : memref<!tpu.dma_semaphore, #tpu.memory_space<semaphore_mem>>)
      %scan3A = arith.constant 0 : i32
      %scan3A_42 = arith.constant 0 : i32
      %scan3A_43 = arith.constant 4 : i32
      %scan3A_44 = arith.addi %scan3A_42, %scan3A_43 : i32
      %scan3A_45 = arith.constant 1 : i32
      scf.for %scan3A_60 = %scan3A_42 to %scan3A_44 step %scan3A_45  : i32 {
        %mul3A_61 = arith.constant 2 : i32
        %mul3A_62 = arith.muli %scan3A_60, %mul3A_61 : i32
        %add3A_63 = arith.constant 0 : i32
        %add3A_64 = arith.addi %mul3A_62, %add3A_63 : i32
        %dma_wait3A_65 = arith.constant 0 : i32
        %dma_wait3A_66 = tpu.memref_slice %arg7[%add3A_64, %dma_wait3A_65] : memref<8x128xi32, #tpu.memory_space<vmem>> -> memref<1x128xi32, #tpu.memory_space<vmem>>
        %dma_wait3A_67 = tpu.memref_squeeze %dma_wait3A_66 : memref<1x128xi32, #tpu.memory_space<vmem>> -> memref<128xi32, #tpu.memory_space<vmem>>
        %dma_wait3A_68 = arith.constant 0 : i32
        %dma_wait3A_69 = arith.constant 0 : i32
        %dma_wait3A_70 = tpu.memref_slice %arg2[%dma_wait3A_68, %dma_wait3A_69] : memref<10000x128xf32, #tpu.memory_space<hbm>> -> memref<10000x128xf32, #tpu.memory_space<hbm>>
        tpu.wait_indirect_dma semaphore(%arg12 : memref<!tpu.dma_semaphore, #tpu.memory_space<semaphore_mem>>) src(%dma_wait3A_70 : memref<10000x128xf32, #tpu.memory_space<hbm>>) dst(%arg9 : memref<128x128xf32, #tpu.memory_space<vmem>>)
        %add3A_71 = arith.constant 0 : i32
        %add3A_72 = arith.addi %mul3A_62, %add3A_71 : i32
        %dma_start3A_73 = arith.constant 0 : i32
        %dma_start3A_74 = tpu.memref_slice %arg8[%add3A_72, %dma_start3A_73] : memref<8x128xi32, #tpu.memory_space<vmem>> -> memref<1x128xi32, #tpu.memory_space<vmem>>
        %dma_start3A_75 = tpu.memref_squeeze %dma_start3A_74 : memref<1x128xi32, #tpu.memory_space<vmem>> -> memref<128xi32, #tpu.memory_space<vmem>>
        %dma_start3A_76 = arith.constant 0 : i32
        %dma_start3A_77 = arith.constant 0 : i32
        %dma_start3A_78 = tpu.memref_slice %arg11[%dma_start3A_76, %dma_start3A_77] : memref<10112x128xf32, #tpu.memory_space<vmem_shared>> -> memref<10112x128xf32, #tpu.memory_space<vmem_shared>>
        tpu.enqueue_indirect_dma source(%arg9 : memref<128x128xf32, #tpu.memory_space<vmem>>) target(%dma_start3A_78 : memref<10112x128xf32, #tpu.memory_space<vmem_shared>>) offsets(%dma_start3A_75 : memref<128xi32, #tpu.memory_space<vmem>>) semaphore(%arg14 : memref<!tpu.dma_semaphore, #tpu.memory_space<semaphore_mem>>) {add = true}
        %add3A_79 = arith.constant 1 : i32
        %add3A_80 = arith.addi %mul3A_62, %add3A_79 : i32
        %dma_wait3A_81 = arith.constant 0 : i32
        %dma_wait3A_82 = tpu.memref_slice %arg7[%add3A_80, %dma_wait3A_81] : memref<8x128xi32, #tpu.memory_space<vmem>> -> memref<1x128xi32, #tpu.memory_space<vmem>>
        %dma_wait3A_83 = tpu.memref_squeeze %dma_wait3A_82 : memref<1x128xi32, #tpu.memory_space<vmem>> -> memref<128xi32, #tpu.memory_space<vmem>>
        %dma_wait3A_84 = arith.constant 0 : i32
        %dma_wait3A_85 = arith.constant 0 : i32
        %dma_wait3A_86 = tpu.memref_slice %arg2[%dma_wait3A_84, %dma_wait3A_85] : memref<10000x128xf32, #tpu.memory_space<hbm>> -> memref<10000x128xf32, #tpu.memory_space<hbm>>
        tpu.wait_indirect_dma semaphore(%arg13 : memref<!tpu.dma_semaphore, #tpu.memory_space<semaphore_mem>>) src(%dma_wait3A_86 : memref<10000x128xf32, #tpu.memory_space<hbm>>) dst(%arg10 : memref<128x128xf32, #tpu.memory_space<vmem>>)
        %add3A_87 = arith.constant 1 : i32
        %add3A_88 = arith.addi %mul3A_62, %add3A_87 : i32
        %dma_start3A_89 = arith.constant 0 : i32
        %dma_start3A_90 = tpu.memref_slice %arg8[%add3A_88, %dma_start3A_89] : memref<8x128xi32, #tpu.memory_space<vmem>> -> memref<1x128xi32, #tpu.memory_space<vmem>>
        %dma_start3A_91 = tpu.memref_squeeze %dma_start3A_90 : memref<1x128xi32, #tpu.memory_space<vmem>> -> memref<128xi32, #tpu.memory_space<vmem>>
        %dma_start3A_92 = arith.constant 0 : i32
        %dma_start3A_93 = arith.constant 0 : i32
        %dma_start3A_94 = tpu.memref_slice %arg11[%dma_start3A_92, %dma_start3A_93] : memref<10112x128xf32, #tpu.memory_space<vmem_shared>> -> memref<10112x128xf32, #tpu.memory_space<vmem_shared>>
        tpu.enqueue_indirect_dma source(%arg10 : memref<128x128xf32, #tpu.memory_space<vmem>>) target(%dma_start3A_94 : memref<10112x128xf32, #tpu.memory_space<vmem_shared>>) offsets(%dma_start3A_91 : memref<128xi32, #tpu.memory_space<vmem>>) semaphore(%arg15 : memref<!tpu.dma_semaphore, #tpu.memory_space<semaphore_mem>>) {add = true}
        %add3A_95 = arith.constant 2 : i32
        %add3A_96 = arith.addi %mul3A_62, %add3A_95 : i32
        %add3A_97 = arith.constant 0 : i32
        %add3A_98 = arith.addi %add3A_96, %add3A_97 : i32
        %lt3A = arith.constant 8 : i32
        %lt3A_99 = arith.cmpi slt, %add3A_98, %lt3A : i32
        %convert_element_type3A = arith.extui %lt3A_99 : i1 to i32
        %cond3A = arith.constant 0 : i32
        %cond3A_100 = arith.cmpi ne, %convert_element_type3A, %cond3A : i32
        scf.if %cond3A_100 {
          %add3A_110 = arith.constant 0 : i32
          %add3A_111 = arith.addi %mul3A_62, %add3A_110 : i32
          %dma_wait3A_112 = arith.constant 0 : i32
          %dma_wait3A_113 = tpu.memref_slice %arg8[%add3A_111, %dma_wait3A_112] : memref<8x128xi32, #tpu.memory_space<vmem>> -> memref<1x128xi32, #tpu.memory_space<vmem>>
          %dma_wait3A_114 = tpu.memref_squeeze %dma_wait3A_113 : memref<1x128xi32, #tpu.memory_space<vmem>> -> memref<128xi32, #tpu.memory_space<vmem>>
          %dma_wait3A_115 = arith.constant 0 : i32
          %dma_wait3A_116 = arith.constant 0 : i32
          %dma_wait3A_117 = tpu.memref_slice %arg11[%dma_wait3A_115, %dma_wait3A_116] : memref<10112x128xf32, #tpu.memory_space<vmem_shared>> -> memref<10112x128xf32, #tpu.memory_space<vmem_shared>>
          tpu.wait_indirect_dma semaphore(%arg14 : memref<!tpu.dma_semaphore, #tpu.memory_space<semaphore_mem>>) src(%arg9 : memref<128x128xf32, #tpu.memory_space<vmem>>) dst(%dma_wait3A_117 : memref<10112x128xf32, #tpu.memory_space<vmem_shared>>)
          %dma_start3A_118 = arith.constant 0 : i32
          %dma_start3A_119 = tpu.memref_slice %arg7[%add3A_98, %dma_start3A_118] : memref<8x128xi32, #tpu.memory_space<vmem>> -> memref<1x128xi32, #tpu.memory_space<vmem>>
          %dma_start3A_120 = tpu.memref_squeeze %dma_start3A_119 : memref<1x128xi32, #tpu.memory_space<vmem>> -> memref<128xi32, #tpu.memory_space<vmem>>
          %dma_start3A_121 = arith.constant 0 : i32
          %dma_start3A_122 = arith.constant 0 : i32
          %dma_start3A_123 = tpu.memref_slice %arg2[%dma_start3A_121, %dma_start3A_122] : memref<10000x128xf32, #tpu.memory_space<hbm>> -> memref<10000x128xf32, #tpu.memory_space<hbm>>
          tpu.enqueue_indirect_dma source(%dma_start3A_123 : memref<10000x128xf32, #tpu.memory_space<hbm>>) target(%arg9 : memref<128x128xf32, #tpu.memory_space<vmem>>) offsets(%dma_start3A_120 : memref<128xi32, #tpu.memory_space<vmem>>) semaphore(%arg12 : memref<!tpu.dma_semaphore, #tpu.memory_space<semaphore_mem>>)
        } else {
        }
        %add3A_101 = arith.constant 2 : i32
        %add3A_102 = arith.addi %mul3A_62, %add3A_101 : i32
        %add3A_103 = arith.constant 1 : i32
        %add3A_104 = arith.addi %add3A_102, %add3A_103 : i32
        %lt3A_105 = arith.constant 8 : i32
        %lt3A_106 = arith.cmpi slt, %add3A_104, %lt3A_105 : i32
        %convert_element_type3A_107 = arith.extui %lt3A_106 : i1 to i32
        %cond3A_108 = arith.constant 0 : i32
        %cond3A_109 = arith.cmpi ne, %convert_element_type3A_107, %cond3A_108 : i32
        scf.if %cond3A_109 {
          %add3A_110 = arith.constant 1 : i32
          %add3A_111 = arith.addi %mul3A_62, %add3A_110 : i32
          %dma_wait3A_112 = arith.constant 0 : i32
          %dma_wait3A_113 = tpu.memref_slice %arg8[%add3A_111, %dma_wait3A_112] : memref<8x128xi32, #tpu.memory_space<vmem>> -> memref<1x128xi32, #tpu.memory_space<vmem>>
          %dma_wait3A_114 = tpu.memref_squeeze %dma_wait3A_113 : memref<1x128xi32, #tpu.memory_space<vmem>> -> memref<128xi32, #tpu.memory_space<vmem>>
          %dma_wait3A_115 = arith.constant 0 : i32
          %dma_wait3A_116 = arith.constant 0 : i32
          %dma_wait3A_117 = tpu.memref_slice %arg11[%dma_wait3A_115, %dma_wait3A_116] : memref<10112x128xf32, #tpu.memory_space<vmem_shared>> -> memref<10112x128xf32, #tpu.memory_space<vmem_shared>>
          tpu.wait_indirect_dma semaphore(%arg15 : memref<!tpu.dma_semaphore, #tpu.memory_space<semaphore_mem>>) src(%arg10 : memref<128x128xf32, #tpu.memory_space<vmem>>) dst(%dma_wait3A_117 : memref<10112x128xf32, #tpu.memory_space<vmem_shared>>)
          %dma_start3A_118 = arith.constant 0 : i32
          %dma_start3A_119 = tpu.memref_slice %arg7[%add3A_104, %dma_start3A_118] : memref<8x128xi32, #tpu.memory_space<vmem>> -> memref<1x128xi32, #tpu.memory_space<vmem>>
          %dma_start3A_120 = tpu.memref_squeeze %dma_start3A_119 : memref<1x128xi32, #tpu.memory_space<vmem>> -> memref<128xi32, #tpu.memory_space<vmem>>
          %dma_start3A_121 = arith.constant 0 : i32
          %dma_start3A_122 = arith.constant 0 : i32
          %dma_start3A_123 = tpu.memref_slice %arg2[%dma_start3A_121, %dma_start3A_122] : memref<10000x128xf32, #tpu.memory_space<hbm>> -> memref<10000x128xf32, #tpu.memory_space<hbm>>
          tpu.enqueue_indirect_dma source(%dma_start3A_123 : memref<10000x128xf32, #tpu.memory_space<hbm>>) target(%arg10 : memref<128x128xf32, #tpu.memory_space<vmem>>) offsets(%dma_start3A_120 : memref<128xi32, #tpu.memory_space<vmem>>) semaphore(%arg13 : memref<!tpu.dma_semaphore, #tpu.memory_space<semaphore_mem>>)
        } else {
        }
      }
      %scan3A_46 = arith.constant 4 : i32
      %dma_wait3A = arith.constant 6 : i32
      %dma_wait3A_47 = arith.constant 0 : i32
      %dma_wait3A_48 = tpu.memref_slice %arg8[%dma_wait3A, %dma_wait3A_47] : memref<8x128xi32, #tpu.memory_space<vmem>> -> memref<1x128xi32, #tpu.memory_space<vmem>>
      %dma_wait3A_49 = tpu.memref_squeeze %dma_wait3A_48 : memref<1x128xi32, #tpu.memory_space<vmem>> -> memref<128xi32, #tpu.memory_space<vmem>>
      %dma_wait3A_50 = arith.constant 0 : i32
      %dma_wait3A_51 = arith.constant 0 : i32
      %dma_wait3A_52 = tpu.memref_slice %arg11[%dma_wait3A_50, %dma_wait3A_51] : memref<10112x128xf32, #tpu.memory_space<vmem_shared>> -> memref<10112x128xf32, #tpu.memory_space<vmem_shared>>
      tpu.wait_indirect_dma semaphore(%arg14 : memref<!tpu.dma_semaphore, #tpu.memory_space<semaphore_mem>>) src(%arg9 : memref<128x128xf32, #tpu.memory_space<vmem>>) dst(%dma_wait3A_52 : memref<10112x128xf32, #tpu.memory_space<vmem_shared>>)
      %dma_wait3A_53 = arith.constant 7 : i32
      %dma_wait3A_54 = arith.constant 0 : i32
      %dma_wait3A_55 = tpu.memref_slice %arg8[%dma_wait3A_53, %dma_wait3A_54] : memref<8x128xi32, #tpu.memory_space<vmem>> -> memref<1x128xi32, #tpu.memory_space<vmem>>
      %dma_wait3A_56 = tpu.memref_squeeze %dma_wait3A_55 : memref<1x128xi32, #tpu.memory_space<vmem>> -> memref<128xi32, #tpu.memory_space<vmem>>
      %dma_wait3A_57 = arith.constant 0 : i32
      %dma_wait3A_58 = arith.constant 0 : i32
      %dma_wait3A_59 = tpu.memref_slice %arg11[%dma_wait3A_57, %dma_wait3A_58] : memref<10112x128xf32, #tpu.memory_space<vmem_shared>> -> memref<10112x128xf32, #tpu.memory_space<vmem_shared>>
      tpu.wait_indirect_dma semaphore(%arg15 : memref<!tpu.dma_semaphore, #tpu.memory_space<semaphore_mem>>) src(%arg10 : memref<128x128xf32, #tpu.memory_space<vmem>>) dst(%dma_wait3A_59 : memref<10112x128xf32, #tpu.memory_space<vmem_shared>>)
    }
    %barrier3A_20 = arith.constant 0 : index
    tpu.barrier barrier_id(%barrier3A_20)
    %mul3A_21 = arith.constant 632 : i32
    %mul3A_22 = arith.muli %arg1, %mul3A_21 : i32
    %mul3A_23 = arith.constant 632 : i32
    %mul3A_24 = arith.muli %arg1, %mul3A_23 : i32
    "tpu.region"() ({
      %run_scoped3A = tpu.sem_alloc : memref<!tpu.dma_semaphore, #tpu.memory_space<semaphore_mem>>
      %dma_start3A = arith.constant 0 : i32
      %dma_start3A_25 = tpu.memref_slice %arg6[%arg0, %mul3A_24, %dma_start3A] : memref<2x10112x128xf32, #tpu.memory_space<hbm>> -> memref<1x632x128xf32, #tpu.memory_space<hbm>>
      %dma_start3A_26 = tpu.memref_squeeze %dma_start3A_25 : memref<1x632x128xf32, #tpu.memory_space<hbm>> -> memref<632x128xf32, #tpu.memory_space<hbm>>
      %dma_start3A_27 = arith.constant 0 : i32
      %dma_start3A_28 = tpu.memref_slice %arg11[%mul3A_22, %dma_start3A_27] : memref<10112x128xf32, #tpu.memory_space<vmem_shared>> -> memref<632x128xf32, #tpu.memory_space<vmem_shared>>
      tpu.enqueue_dma source(%dma_start3A_28 : memref<632x128xf32, #tpu.memory_space<vmem_shared>>) target(%dma_start3A_26 : memref<632x128xf32, #tpu.memory_space<hbm>>) target_semaphore(%run_scoped3A : memref<!tpu.dma_semaphore, #tpu.memory_space<semaphore_mem>>)
      %dma_wait3A = arith.constant 0 : i32
      %dma_wait3A_29 = tpu.memref_slice %arg6[%arg0, %mul3A_24, %dma_wait3A] : memref<2x10112x128xf32, #tpu.memory_space<hbm>> -> memref<1x632x128xf32, #tpu.memory_space<hbm>>
      %dma_wait3A_30 = tpu.memref_squeeze %dma_wait3A_29 : memref<1x632x128xf32, #tpu.memory_space<hbm>> -> memref<632x128xf32, #tpu.memory_space<hbm>>
      %dma_wait3A_31 = arith.constant 0 : i32
      %dma_wait3A_32 = tpu.memref_slice %arg11[%mul3A_22, %dma_wait3A_31] : memref<10112x128xf32, #tpu.memory_space<vmem_shared>> -> memref<632x128xf32, #tpu.memory_space<vmem_shared>>
      tpu.wait_dma2 semaphore(%run_scoped3A : memref<!tpu.dma_semaphore, #tpu.memory_space<semaphore_mem>>) src(%dma_wait3A_32 : memref<632x128xf32, #tpu.memory_space<vmem_shared>>) dst(%dma_wait3A_30 : memref<632x128xf32, #tpu.memory_space<hbm>>)
      tpu.yield
    }) : () -> ()
    return
  }
}

module attributes {stable_mosaic.version = 14 : i64} {
  func.func @_mm1_body(%arg0: i32, %arg1: memref<2x1000x16xf32, #tpu.memory_space<vmem>>, %arg2: memref<1000x128xf32, #tpu.memory_space<vmem>>, %arg3: memref<128x128xf32, #tpu.memory_space<vmem>>, %arg4: memref<1000x128xf32, #tpu.memory_space<vmem>>) attributes {dimension_semantics = [#tpu.dimension_semantics<arbitrary>], iteration_bounds = array<i64: 10>, scalar_prefetch = 0 : i64, scratch_operands = 0 : i64, tpu.core_type = #tpu.core_type<tc>, window_params = [{transform_indices = @transform_0, window_bounds = array<i64: 2, 1000, 16>}, {transform_indices = @transform_1, window_bounds = array<i64: 1000, 128>}, {pipeline_mode = #tpu.pipeline_mode<synchronous>, transform_indices = @transform_2, window_bounds = array<i64: 128, 128>}, {transform_indices = @transform_3, window_bounds = array<i64: 1000, 128>}]} {
    %get3A = arith.constant 0 : index
    %get3A_0 = arith.constant 0 : index
    %get3A_1 = arith.constant 0 : index
    %get3A_2 = vector.load %arg1[%get3A, %get3A_0, %get3A_1] : memref<2x1000x16xf32, #tpu.memory_space<vmem>>, vector<2x1000x16xf32>
    %reduce_sum3A = arith.constant dense<0.000000e+00> : vector<1000x16xf32>
    %reduce_sum3A_3 = vector.multi_reduction <add>, %get3A_2, %reduce_sum3A [0] : vector<2x1000x16xf32> to vector<1000x16xf32>
    %slice3A = vector.extract_strided_slice %reduce_sum3A_3 {offsets = [0, 0], sizes = [1000, 1], strides = [1, 1]} : vector<1000x16xf32> to vector<1000x1xf32>
    %add3A = arith.constant 1.000000e+00 : f32
    %add3A_4 = vector.broadcast %add3A : f32 to vector<1000x1xf32>
    %add3A_5 = arith.addf %slice3A, %add3A_4 : vector<1000x1xf32>
    %rsqrt3A = math.rsqrt %add3A_5 : vector<1000x1xf32>
    %get3A_6 = arith.constant 0 : index
    %get3A_7 = arith.constant 0 : index
    %get3A_8 = vector.load %arg2[%get3A_6, %get3A_7] : memref<1000x128xf32, #tpu.memory_space<vmem>>, vector<1000x128xf32>
    %get3A_9 = arith.constant 0 : index
    %get3A_10 = arith.constant 0 : index
    %get3A_11 = vector.load %arg3[%get3A_9, %get3A_10] : memref<128x128xf32, #tpu.memory_space<vmem>>, vector<128x128xf32>
    %dot_general3A = arith.constant dense<0.000000e+00> : vector<1000x128xf32>
    %dot_general3A_12 = tpu.matmul %get3A_8, %get3A_11, %dot_general3A {dimension_numbers = #tpu.dot_dimension_numbers<[1], [0], [0], [1], [0, 0, 1, 1], [], []>, transpose_lhs_hint = false} : vector<1000x128xf32>, vector<128x128xf32>, vector<1000x128xf32> -> vector<1000x128xf32>
    %mul3A = vector.broadcast %rsqrt3A : vector<1000x1xf32> to vector<1000x128xf32>
    %mul3A_13 = arith.mulf %dot_general3A_12, %mul3A : vector<1000x128xf32>
    %swap3A = arith.constant 0 : index
    %swap3A_14 = arith.constant 0 : index
    %swap3A_15 = vector.load %arg4[%swap3A, %swap3A_14] : memref<1000x128xf32, #tpu.memory_space<vmem>>, vector<1000x128xf32>
    tpu.vector_store %arg4[%swap3A, %swap3A_14], %mul3A_13 {strides = array<i32>} : memref<1000x128xf32, #tpu.memory_space<vmem>>, vector<1000x128xf32>,
    return
  }
  func.func @transform_0(%arg0: i32) -> (i32, i32, i32) {
    %c0_i32 = arith.constant 0 : i32
    %c0_i32_0 = arith.constant 0 : i32
    %c0_i32_1 = arith.constant 0 : i32
    return %c0_i32, %arg0, %c0_i32_0 : i32, i32, i32
  }
  func.func @transform_1(%arg0: i32) -> (i32, i32) {
    %c0_i32 = arith.constant 0 : i32
    %c0_i32_0 = arith.constant 0 : i32
    return %arg0, %c0_i32 : i32, i32
  }
  func.func @transform_2(%arg0: i32) -> (i32, i32) {
    %c0_i32 = arith.constant 0 : i32
    %c0_i32_0 = arith.constant 0 : i32
    %c0_i32_1 = arith.constant 0 : i32
    return %c0_i32, %c0_i32_0 : i32, i32
  }
  func.func @transform_3(%arg0: i32) -> (i32, i32) {
    %c0_i32 = arith.constant 0 : i32
    %c0_i32_0 = arith.constant 0 : i32
    return %arg0, %c0_i32 : i32, i32
  }
}

module attributes {stable_mosaic.version = 14 : i64} {
  func.func @_mid_body(%arg0: i32, %arg1: memref<2x1000x16xf32, #tpu.memory_space<vmem>>, %arg2: memref<2x1000x128xf32, #tpu.memory_space<vmem>>, %arg3: memref<1000x128xf32, #tpu.memory_space<vmem>>, %arg4: memref<1x128xf32, #tpu.memory_space<vmem>>, %arg5: memref<1000x128xf32, #tpu.memory_space<vmem>>) attributes {dimension_semantics = [#tpu.dimension_semantics<arbitrary>], iteration_bounds = array<i64: 10>, scalar_prefetch = 0 : i64, scratch_operands = 0 : i64, tpu.core_type = #tpu.core_type<tc>, window_params = [{transform_indices = @transform_0, window_bounds = array<i64: 2, 1000, 16>}, {transform_indices = @transform_1, window_bounds = array<i64: 2, 1000, 128>}, {transform_indices = @transform_2, window_bounds = array<i64: 1000, 128>}, {pipeline_mode = #tpu.pipeline_mode<synchronous>, transform_indices = @transform_3, window_bounds = array<i64: 1, 128>}, {transform_indices = @transform_4, window_bounds = array<i64: 1000, 128>}]} {
    %get3A = arith.constant 0 : index
    %get3A_0 = arith.constant 0 : index
    %get3A_1 = arith.constant 0 : index
    %get3A_2 = vector.load %arg1[%get3A, %get3A_0, %get3A_1] : memref<2x1000x16xf32, #tpu.memory_space<vmem>>, vector<2x1000x16xf32>
    %reduce_sum3A = arith.constant dense<0.000000e+00> : vector<1000x16xf32>
    %reduce_sum3A_3 = vector.multi_reduction <add>, %get3A_2, %reduce_sum3A [0] : vector<2x1000x16xf32> to vector<1000x16xf32>
    %slice3A = vector.extract_strided_slice %reduce_sum3A_3 {offsets = [0, 0], sizes = [1000, 1], strides = [1, 1]} : vector<1000x16xf32> to vector<1000x1xf32>
    %add3A = arith.constant 1.000000e+00 : f32
    %add3A_4 = vector.broadcast %add3A : f32 to vector<1000x1xf32>
    %add3A_5 = arith.addf %slice3A, %add3A_4 : vector<1000x1xf32>
    %rsqrt3A = math.rsqrt %add3A_5 : vector<1000x1xf32>
    %get3A_6 = arith.constant 0 : index
    %get3A_7 = arith.constant 0 : index
    %get3A_8 = arith.constant 0 : index
    %get3A_9 = vector.load %arg2[%get3A_6, %get3A_7, %get3A_8] : memref<2x1000x128xf32, #tpu.memory_space<vmem>>, vector<2x1000x128xf32>
    %reduce_sum3A_10 = arith.constant dense<0.000000e+00> : vector<1000x128xf32>
    %reduce_sum3A_11 = vector.multi_reduction <add>, %get3A_9, %reduce_sum3A_10 [0] : vector<2x1000x128xf32> to vector<1000x128xf32>
    %get3A_12 = arith.constant 0 : index
    %get3A_13 = arith.constant 0 : index
    %get3A_14 = vector.load %arg3[%get3A_12, %get3A_13] : memref<1000x128xf32, #tpu.memory_space<vmem>>, vector<1000x128xf32>
    %add3A_15 = arith.addf %reduce_sum3A_11, %get3A_14 : vector<1000x128xf32>
    %mul3A = vector.broadcast %rsqrt3A : vector<1000x1xf32> to vector<1000x128xf32>
    %mul3A_16 = arith.mulf %mul3A, %add3A_15 : vector<1000x128xf32>
    %get3A_17 = arith.constant 0 : index
    %get3A_18 = arith.constant 0 : index
    %get3A_19 = vector.load %arg4[%get3A_17, %get3A_18] : memref<1x128xf32, #tpu.memory_space<vmem>>, vector<1x128xf32>
    %add3A_20 = vector.broadcast %get3A_19 : vector<1x128xf32> to vector<1000x128xf32>
    %add3A_21 = arith.addf %mul3A_16, %add3A_20 : vector<1000x128xf32>
    %max3A = arith.constant 0.000000e+00 : f32
    %max3A_22 = vector.broadcast %max3A : f32 to vector<1000x128xf32>
    %max3A_23 = arith.maximumf %add3A_21, %max3A_22 : vector<1000x128xf32>
    %mul3A_24 = vector.broadcast %rsqrt3A : vector<1000x1xf32> to vector<1000x128xf32>
    %mul3A_25 = arith.mulf %max3A_23, %mul3A_24 : vector<1000x128xf32>
    %swap3A = arith.constant 0 : index
    %swap3A_26 = arith.constant 0 : index
    %swap3A_27 = vector.load %arg5[%swap3A, %swap3A_26] : memref<1000x128xf32, #tpu.memory_space<vmem>>, vector<1000x128xf32>
    tpu.vector_store %arg5[%swap3A, %swap3A_26], %mul3A_25 {strides = array<i32>} : memref<1000x128xf32, #tpu.memory_space<vmem>>, vector<1000x128xf32>,
    return
  }
  func.func @transform_0(%arg0: i32) -> (i32, i32, i32) {
    %c0_i32 = arith.constant 0 : i32
    %c0_i32_0 = arith.constant 0 : i32
    %c0_i32_1 = arith.constant 0 : i32
    return %c0_i32, %arg0, %c0_i32_0 : i32, i32, i32
  }
  func.func @transform_1(%arg0: i32) -> (i32, i32, i32) {
    %c0_i32 = arith.constant 0 : i32
    %c0_i32_0 = arith.constant 0 : i32
    %c0_i32_1 = arith.constant 0 : i32
    return %c0_i32, %arg0, %c0_i32_0 : i32, i32, i32
  }
  func.func @transform_2(%arg0: i32) -> (i32, i32) {
    %c0_i32 = arith.constant 0 : i32
    %c0_i32_0 = arith.constant 0 : i32
    return %arg0, %c0_i32 : i32, i32
  }
  func.func @transform_3(%arg0: i32) -> (i32, i32) {
    %c0_i32 = arith.constant 0 : i32
    %c0_i32_0 = arith.constant 0 : i32
    %c0_i32_1 = arith.constant 0 : i32
    return %c0_i32, %c0_i32_0 : i32, i32
  }
  func.func @transform_4(%arg0: i32) -> (i32, i32) {
    %c0_i32 = arith.constant 0 : i32
    %c0_i32_0 = arith.constant 0 : i32
    return %arg0, %c0_i32 : i32, i32
  }
}

module attributes {stable_mosaic.version = 14 : i64} {
  func.func @_fin_body(%arg0: i32, %arg1: memref<2x1000x16xf32, #tpu.memory_space<vmem>>, %arg2: memref<2x1000x128xf32, #tpu.memory_space<vmem>>, %arg3: memref<1000x128xf32, #tpu.memory_space<vmem>>, %arg4: memref<1x48xf32, #tpu.memory_space<vmem>>, %arg5: memref<128x48xf32, #tpu.memory_space<vmem>>, %arg6: memref<1000x48xf32, #tpu.memory_space<vmem>>) attributes {dimension_semantics = [#tpu.dimension_semantics<arbitrary>], iteration_bounds = array<i64: 10>, scalar_prefetch = 0 : i64, scratch_operands = 0 : i64, tpu.core_type = #tpu.core_type<tc>, window_params = [{transform_indices = @transform_0, window_bounds = array<i64: 2, 1000, 16>}, {transform_indices = @transform_1, window_bounds = array<i64: 2, 1000, 128>}, {transform_indices = @transform_2, window_bounds = array<i64: 1000, 128>}, {pipeline_mode = #tpu.pipeline_mode<synchronous>, transform_indices = @transform_3, window_bounds = array<i64: 1, 48>}, {pipeline_mode = #tpu.pipeline_mode<synchronous>, transform_indices = @transform_4, window_bounds = array<i64: 128, 48>}, {transform_indices = @transform_5, window_bounds = array<i64: 1000, 48>}]} {
    %get3A = arith.constant 0 : index
    %get3A_0 = arith.constant 0 : index
    %get3A_1 = arith.constant 0 : index
    %get3A_2 = vector.load %arg1[%get3A, %get3A_0, %get3A_1] : memref<2x1000x16xf32, #tpu.memory_space<vmem>>, vector<2x1000x16xf32>
    %reduce_sum3A = arith.constant dense<0.000000e+00> : vector<1000x16xf32>
    %reduce_sum3A_3 = vector.multi_reduction <add>, %get3A_2, %reduce_sum3A [0] : vector<2x1000x16xf32> to vector<1000x16xf32>
    %slice3A = vector.extract_strided_slice %reduce_sum3A_3 {offsets = [0, 0], sizes = [1000, 1], strides = [1, 1]} : vector<1000x16xf32> to vector<1000x1xf32>
    %add3A = arith.constant 1.000000e+00 : f32
    %add3A_4 = vector.broadcast %add3A : f32 to vector<1000x1xf32>
    %add3A_5 = arith.addf %slice3A, %add3A_4 : vector<1000x1xf32>
    %rsqrt3A = math.rsqrt %add3A_5 : vector<1000x1xf32>
    %get3A_6 = arith.constant 0 : index
    %get3A_7 = arith.constant 0 : index
    %get3A_8 = arith.constant 0 : index
    %get3A_9 = vector.load %arg2[%get3A_6, %get3A_7, %get3A_8] : memref<2x1000x128xf32, #tpu.memory_space<vmem>>, vector<2x1000x128xf32>
    %reduce_sum3A_10 = arith.constant dense<0.000000e+00> : vector<1000x128xf32>
    %reduce_sum3A_11 = vector.multi_reduction <add>, %get3A_9, %reduce_sum3A_10 [0] : vector<2x1000x128xf32> to vector<1000x128xf32>
    %get3A_12 = arith.constant 0 : index
    %get3A_13 = arith.constant 0 : index
    %get3A_14 = vector.load %arg3[%get3A_12, %get3A_13] : memref<1000x128xf32, #tpu.memory_space<vmem>>, vector<1000x128xf32>
    %add3A_15 = arith.addf %reduce_sum3A_11, %get3A_14 : vector<1000x128xf32>
    %get3A_16 = arith.constant 0 : index
    %get3A_17 = arith.constant 0 : index
    %get3A_18 = vector.load %arg5[%get3A_16, %get3A_17] : memref<128x48xf32, #tpu.memory_space<vmem>>, vector<128x48xf32>
    %dot_general3A = arith.constant dense<0.000000e+00> : vector<1000x48xf32>
    %dot_general3A_19 = tpu.matmul %add3A_15, %get3A_18, %dot_general3A {dimension_numbers = #tpu.dot_dimension_numbers<[1], [0], [0], [1], [0, 0, 1, 1], [], []>, transpose_lhs_hint = false} : vector<1000x128xf32>, vector<128x48xf32>, vector<1000x48xf32> -> vector<1000x48xf32>
    %mul3A = vector.broadcast %rsqrt3A : vector<1000x1xf32> to vector<1000x48xf32>
    %mul3A_20 = arith.mulf %mul3A, %dot_general3A_19 : vector<1000x48xf32>
    %get3A_21 = arith.constant 0 : index
    %get3A_22 = arith.constant 0 : index
    %get3A_23 = vector.load %arg4[%get3A_21, %get3A_22] : memref<1x48xf32, #tpu.memory_space<vmem>>, vector<1x48xf32>
    %add3A_24 = vector.broadcast %get3A_23 : vector<1x48xf32> to vector<1000x48xf32>
    %add3A_25 = arith.addf %mul3A_20, %add3A_24 : vector<1000x48xf32>
    %swap3A = arith.constant 0 : index
    %swap3A_26 = arith.constant 0 : index
    %swap3A_27 = vector.load %arg6[%swap3A, %swap3A_26] : memref<1000x48xf32, #tpu.memory_space<vmem>>, vector<1000x48xf32>
    tpu.vector_store %arg6[%swap3A, %swap3A_26], %add3A_25 {strides = array<i32>} : memref<1000x48xf32, #tpu.memory_space<vmem>>, vector<1000x48xf32>,
    return
  }
  func.func @transform_0(%arg0: i32) -> (i32, i32, i32) {
    %c0_i32 = arith.constant 0 : i32
    %c0_i32_0 = arith.constant 0 : i32
    %c0_i32_1 = arith.constant 0 : i32
    return %c0_i32, %arg0, %c0_i32_0 : i32, i32, i32
  }
  func.func @transform_1(%arg0: i32) -> (i32, i32, i32) {
    %c0_i32 = arith.constant 0 : i32
    %c0_i32_0 = arith.constant 0 : i32
    %c0_i32_1 = arith.constant 0 : i32
    return %c0_i32, %arg0, %c0_i32_0 : i32, i32, i32
  }
  func.func @transform_2(%arg0: i32) -> (i32, i32) {
    %c0_i32 = arith.constant 0 : i32
    %c0_i32_0 = arith.constant 0 : i32
    return %arg0, %c0_i32 : i32, i32
  }
  func.func @transform_3(%arg0: i32) -> (i32, i32) {
    %c0_i32 = arith.constant 0 : i32
    %c0_i32_0 = arith.constant 0 : i32
    %c0_i32_1 = arith.constant 0 : i32
    return %c0_i32, %c0_i32_0 : i32, i32
  }
  func.func @transform_4(%arg0: i32) -> (i32, i32) {
    %c0_i32 = arith.constant 0 : i32
    %c0_i32_0 = arith.constant 0 : i32
    %c0_i32_1 = arith.constant 0 : i32
    return %c0_i32, %c0_i32_0 : i32, i32
  }
  func.func @transform_5(%arg0: i32) -> (i32, i32) {
    %c0_i32 = arith.constant 0 : i32
    %c0_i32_0 = arith.constant 0 : i32
    return %arg0, %c0_i32 : i32, i32
  }
}

</mosaic_0001>

<sc_bundles>
// kernel: _run.11.cloned.1.call-start
scs
__scs_entry_jumppad:
0x0: {  	(pc) =	sbr.rel $0x88, $3  }
0x1: {  	(tag) =	ssettag $0x0;
	lr =	simm.s32 $0x1  }
0x2: {  	[smem:$0x3F9B] =	sst lr;
	_ =	strace $0xD0000000  }
0x3: {  	_ = 	snop  }
0x4: {  	_ = 	snop  }
0x5: {  	_ = 	snop  }
0x6: {  	_ = 	snop  }
0x7: {  	_ = 	snop  }
__scs_overlays_trampoline_lowered:
0x8: {  	[smem:$0x3FAA] =	sst s0  }
0x9: {  	[smem:$0x3FAB] =	sst s1  }
0xa: {  	[smem:$0x3FAC] =	sst s2  }
0xb: {  	[smem:$0x3FAD] =	sst s3  }
0xc: {  	[smem:$0x3FAE] =	sst s4  }
0xd: {  	[smem:$0x3FAF] =	sst s5  }
0xe: {  	[smem:$0x3FB0] =	sst s6  }
0xf: {  	[smem:$0x3FB1] =	sst s7  }
0x10: {  	[smem:$0x3FB2] =	sst s8  }
0x11: {  	[smem:$0x3FB3] =	sst s9;
	s0 =	simm.s32 @!p0 $0x0  }
0x12: {  	s1 =	sld [smem:$0x3F99];
	s0 =	simm.s32 @p0 $0x1  }
0x13: {  	[smem:$0x3FB4] =	sst s0;
	s0 =	simm.s32 @!p1 $0x0  }
0x14: {  	s2 =	sld [smem:$0x3F98];
	s0 =	simm.s32 @p1 $0x1  }
0x15: {  	[smem:$0x3FB5] =	sst s0;
	s0 =	simm.s32 @!p2 $0x0  }
0x16: {  	s3 =	sld [smem:$0x3FDB];
	s0 =	simm.s32 @p2 $0x1  }
0x17: {  	s4 =	simm.s32 $0x1BF5;
	[smem:$0x3FB7] =	sst s0  }
0x18: {  	s0 =	sld [smem:$0x3F9A];
	_ =	swait.ge [sflag:s4], $0x0  }
0x19: {  	s7 =	sld [smem:$0x3F9B]  }
0x1a: {  	s8 =	sadd.s32 $0xFFFFE003, lr  }
0x1b: {  	s9 =	sadd.s32 $0xFFFFFEF7, lr;
	s5 =	simm.s32 $0xFFFFFFFF;
	p2 =	slt.u32 s8, $0xFFFFF086  }
0x1c: {  	p1 =	slt.u32 s9, $0xF7A;
	s5 =	simm.s32 @!p2 $0x0  }
0x1d: {  	s5 =	simm.s32 @p1 $0x1;
	p0 =	seq.s32 s7, s2  }
0x1e: {  	s7 =	smul.u32 @!p0 $0xF7A, s2;
	p2 =	seq.s32 @!p0 s5, $0x0  }
0x1f: {  	s9 =	smul.u32 $0xF7A, s1;
	s8 =	simm.s32 @!p0 $0x1BF5;
	p2 =	por !p2, p0  }
0x20: {  	[sflag:s8] =	ssyncset.s32 @!p0 $0xFFFFF086;
	s6 =	sadd.s32 @!p0 s3, s7;
	s7 =	simm.s32 @!p0 $0x108  }
0x21: {  	s3 =	sadd.s32 s3, s9;
	s6 =	sadd.s32 @!p0 $0x88, s6;
	s7 =	simm.s32 @p2 $0x1082  }
0x22: {  	[simem:s7], [sflag:s8] =	dma.local @!p0 [hbm:s6], $0xF7A  }
0x23: {  	s9 =	sor.u32 $0xD0000000, s2;
	s6 =	simm.s32 $0x108;
	_ =	swait.ge @!p0 [sflag:s8], $0x0  }
0x24: {  	s3 =	sadd.s32 $0x88, s3;
	s6 =	simm.s32 @!p1 $0x1082;
	[sflag:s4] =	ssyncset.s32 $0xFFFFF086  }
0x25: {  	[simem:s6], [sflag:s4] =	dma.local [hbm:s3], $0xF7A  }
0x26: {  	[smem:$0x3F9B] =	sst s1;
	(tag) =	ssettag s2;
	_ =	strace s9  }
0x27: {  	s1 =	sld [smem:$0x3FAB]  }
0x28: {  	s2 =	sld [smem:$0x3FAC]  }
0x29: {  	s4 =	sld [smem:$0x3FAE]  }
0x2a: {  	p0 =	seq.s32 s5, $0x0;
	s5 =	sld [smem:$0x3FAF]  }
0x2b: {  	s6 =	sld [smem:$0x3FB0]  }
0x2c: {  	s7 =	sld [smem:$0x3FB1]  }
0x2d: {  	s3 =	simm.s32 $0x108;
	s8 =	sld [smem:$0x3FB2]  }
0x2e: {  	s3 =	simm.s32 @!p0 $0x1082;
	s9 =	sld [smem:$0x3FB3]  }
0x2f: {  	lr =	sadd.s32 s0, s3;
	s0 =	sld [smem:$0x3FAA]  }
0x30: {  	s3 =	sld [smem:$0x3FAD]  }
0x31: {  	[smem:$0x3FB6] =	sst s10  }
0x32: {  	s10 =	sld [smem:$0x3FB4];
	_ =	sdelay $0x3  }
0x33: {  	p0 =	seq.s32 s10, $0x1;
	s10 =	sld [smem:$0x3FB6];
	_ =	sdelay $0x3  }
0x34: {  	[smem:$0x3FB6] =	sst s10  }
0x35: {  	s10 =	sld [smem:$0x3FB5];
	_ =	sdelay $0x3  }
0x36: {  	p1 =	seq.s32 s10, $0x1;
	s10 =	sld [smem:$0x3FB6];
	_ =	sdelay $0x3  }
0x37: {  	[smem:$0x3FB6] =	sst s10  }
0x38: {  	s10 =	sld [smem:$0x3FB7]  }
0x39: {  	_ = 	snop;
	(pc) =	sbr.ind lr, $3  }
0x3a: {  	_ = 	snop  }
0x3b: {  	_ = 	snop  }
0x3c: {  	p2 =	seq.s32 s10, $0x1;
	s10 =	sld [smem:$0x3FB6]  }
0x3d: {  	_ =	shalt  }
0x3e: {  	_ =	shalt  }
0x3f: {  	_ =	shalt  }
0x40: {  	_ =	shalt  }
0x41: {  	_ =	shalt  }
0x42: {  	_ =	shalt  }
0x43: {  	_ =	shalt  }
0x44: {  	_ =	shalt  }
0x45: {  	_ =	shalt  }
0x46: {  	_ =	shalt  }
0x47: {  	_ =	shalt  }
0x48: {  	_ =	shalt  }
0x49: {  	_ =	shalt  }
0x4a: {  	_ =	shalt  }
0x4b: {  	_ =	shalt  }
0x4c: {  	_ =	shalt  }
0x4d: {  	_ =	shalt  }
0x4e: {  	_ =	shalt  }
0x4f: {  	_ =	shalt  }
0x50: {  	_ =	shalt  }
0x51: {  	_ =	shalt  }
0x52: {  	_ =	shalt  }
0x53: {  	_ =	shalt  }
0x54: {  	_ =	shalt  }
0x55: {  	_ =	shalt  }
0x56: {  	_ =	shalt  }
0x57: {  	_ =	shalt  }
0x58: {  	_ =	shalt  }
0x59: {  	_ =	shalt  }
0x5a: {  	_ =	shalt  }
0x5b: {  	_ =	shalt  }
0x5c: {  	_ =	shalt  }
0x5d: {  	_ =	shalt  }
0x5e: {  	_ =	shalt  }
0x5f: {  	_ =	shalt  }
0x60: {  	_ =	shalt  }
0x61: {  	_ =	shalt  }
0x62: {  	_ =	shalt  }
0x63: {  	_ =	shalt  }
0x64: {  	_ =	shalt  }
0x65: {  	_ =	shalt  }
0x66: {  	_ =	shalt  }
0x67: {  	_ =	shalt  }
0x68: {  	_ =	shalt  }
0x69: {  	_ =	shalt  }
0x6a: {  	_ =	shalt  }
0x6b: {  	_ =	shalt  }
0x6c: {  	_ =	shalt  }
0x6d: {  	_ =	shalt  }
0x6e: {  	_ =	shalt  }
0x6f: {  	_ =	shalt  }
0x70: {  	_ =	shalt  }
0x71: {  	_ =	shalt  }
0x72: {  	_ =	shalt  }
0x73: {  	_ =	shalt  }
0x74: {  	_ =	shalt  }
0x75: {  	_ =	shalt  }
0x76: {  	_ =	shalt  }
0x77: {  	_ =	shalt  }
0x78: {  	_ =	shalt  }
0x79: {  	_ =	shalt  }
0x7a: {  	_ =	shalt  }
0x7b: {  	_ =	shalt  }
0x7c: {  	_ =	shalt  }
0x7d: {  	_ =	shalt  }
0x7e: {  	_ =	shalt  }
0x7f: {  	_ =	shalt  }
0x80: {  	_ =	shalt  }
0x81: {  	_ =	shalt  }
0x82: {  	_ =	shalt  }
0x83: {  	_ =	shalt  }
0x84: {  	_ =	shalt  }
0x85: {  	_ =	shalt  }
0x86: {  	_ =	shalt  }
0x87: {  	_ =	shalt  }
.Lfunc_end0:
.L_simem_size_0:
called_computation.1_lowered:
.L_overlay_start_0:
0x88: {  	s2 =	sld [smem:$0x3FD9]  }
0x89: {  	s3 =	sld [smem:$0x3FFE];
	_ =	sdelay $0x1  }
0x8a: {  	s1 =	srdreg.scid  }
0x8b: {  	s0 =	sand.u32 $0x1, s1  }
0x8c: {  	s17 =	sshll.u32 s0, $0xA;
	s2 =	sadd.s32 s3, s2  }
0x8d: {  	s2 =	sadd.s32 s2, s17  }
0x8e: {  	[smem:$0x3FC2] =	sst s2  }
0x8f: {  	_ = 	snop  }
0x90: {  	s2 =	sld [smem:$0x3FD0];
	(tm) =	ssettm $0x1  }
0x91: {  	s18 =	sld [smem:$0x3FFB];
	_ =	sdelay $0x3  }
0x92: {  	_ =	strace s18  }
0x93: {  	s3 =	sld [smem:$0x3FFC];
	_ =	sdelay $0x3  }
0x94: {  	_ =	strace s3  }
0x95: {  	s3 =	sld [smem:$0x3FFD];
	_ =	sdelay $0x3  }
0x96: {  	_ =	strace s3  }
0x97: {  	_ =	strace $0x8FFFFFFF  }
0x98: {  	s19 =	sld [smem:$0x3FDB];
	_ =	sdelay $0x1  }
0x99: {  	s4 =	simm.s32 $_scs_section_size  }
0x9a: {  	s5 =	simm.s32 $_size__tile_overlayer_lowered;
	s6 =	simm.s32 $_tile_overlayer_lowered  }
0x9b: {  	s22 =	simm.s32 $0x1BFF;
	s21 =	sshll.u32 s6, $0x1;
	s3 =	sadd.s32 s4, s19  }
0x9c: {  	s7 =	simm.s32 $0x0;
	s20 =	sshll.u32 s5, $0x1;
	s5 =	sadd.s32 s21, s3  }
0x9d: {  	[timem:s7], [sflag:s22] =	dma.local [hbm:s5], s20  }
0x9e: {  	_ =	swait.ge [sflag:s22], s20  }
0x9f: {  	s4 =	ssub.s32 $0x0, s20;
	[sflag:s22] =	ssyncset.done $0x0  }
0xa0: {  	[sflag:s22] =	ssyncadd.s32 s4;
	_ =	sdelay $0x1  }
0xa1: {  	s23 =	simm.s32 $0x1B8B  }
0xa2: {  	_ =	swait.ge [sflag:s23], $0x1  }
0xa3: {  	[sflag:s23] =	ssyncset.done $0x0  }
0xa4: {  	s25 =	simm.s32 $0x1B8E;
	s24 =	sld [smem:$0x3FFE];
	[sflag:s23] =	ssyncadd.s32 $0xFFFFFFFF  }
0xa5: {  	s26 =	simm.s32 $execute0_lowered;
	[smem:$0x3FD2] =	sst s25  }
0xa6: {  	s5 =	sshll.u32 s26, $0x1;
	_ =	strace $0x80000049;
	[dreg:$0x1] =	wrdreg $0xFFFFFFFF  }
0xa7: {  	s28 =	simm.s32 $_size_execute0_lowered;
	s3 =	sadd.s32 s3, s5;
	[dreg:$0x0] =	wrdreg $0x0  }
0xa8: {  	s5 =	sshll.u32 s28, $0x1;
	[dreg:$0x2] =	wrdreg s3  }
0xa9: {  	[dreg:$0x3] =	wrdreg s5  }
0xaa: {  	[dreg:$0x4] =	wrdreg $0xC0  }
0xab: {  	_ =	task [dreg:s7], $0x5FFFF  }
0xac: {  	[dreg:$0x1] =	wrdreg $0xFFFFFFFF  }
0xad: {  	[dreg:$0x0] =	wrdreg $0x60  }
0xae: {  	[dreg:$0x2] =	wrdreg s24  }
0xaf: {  	[dreg:$0x3] =	wrdreg s2  }
0xb0: {  	[dreg:$0x4] =	wrdreg $0x88000  }
0xb1: {  	[dreg:$0x5] =	wrdreg $0x9  }
0xb2: {  	_ =	task.clear_ibuf [dreg:s7], $0x6FFFF;
	_ =	strace $0x90000049  }
0xb3: {  	s29 =	simm.s32 $0x9;
	_ =	strace $0x8000004B  }
0xb4: {  	_ =	swait.ge [sflag:s29], $0x1  }
0xb5: {  	[sflag:s29] =	ssyncadd.s32 $0xFFFFFFFF  }
0xb6: {  	_ =	strace $0x9000004B  }
0xb7: {  	_ =	sfence  }
0xb8: {  	s30 =	sld [smem:$0x0];
	_ =	sdelay $0x2  }
0xb9: {  	s31 =	sshll.u32 s1, $0xD;
	s1 =	sshrl.u32 s1, $0x2  }
0xba: {  	s3 =	sand.u32 $0x4000, s31;
	s1 =	sadd.s32 s1, s30  }
0xbb: {  	s0 =	sor.u32 s3, s0;
	s1 =	sshll.u32 s1, $0x11  }
0xbc: {  	s0 =	sor.u32 s1, s0  }
0xbd: {  	s0 =	sadd.s32 $0x8F2B, s0  }
0xbe: {  	[sflag:s0] =	ssyncadd.remote.s32 $0x1  }
0xbf: {  	_ =	sfence.sel $0xFFFF  }
0xc0: {  	[dreg:$0x0] =	wrdreg $0xFFFFFFFF;
	(pc) =	sbr.abs _section_cstart, $3  }
0xc1: {  	[dreg:$0x1] =	wrdreg $0xFFFFFFFF  }
0xc2: {  	_ =	task.clear_ibuf [dreg:s7], $0x2FFFF;
	_ =	strace $0x9FFFFFFF  }
0xc3: {  	(tm) =	ssettm $0x7FFFFFFF  }
tec
execute0_lowered:
.L_overlay_start_1:
0x0: {  	(tag) =	ssettag $0x1  }
0x1: {  	s0 =	rddreg [dreg:$0x0]  }
0x2: {  	s1 =	rddreg [dreg:$0x1]  }
0x3: {  	s2 =	rddreg [dreg:$0x2]  }
0x4: {  	s11 =	stileid.u32;
	s3 =	simm.s32 $0x0;
	s4 =	srdreg.scid  }
0x5: {  	s13 =	simm.s32 $0x5;
	s14 =	simm.s32 $0x400;
	s15 =	simm.s32 $0x80  }
0x6: {  	s16 =	simm.s32 $0x800;
	s17 =	simm.s32 $0x4800;
	s26 =	simm.s32 $0x480  }
0x7: {  	s18 =	simm.s32 $0x1;
	s28 =	simm.s32 $0x280;
	s29 =	simm.s32 $0x600  }
0x8: {  	s30 =	simm.s32 $0x680;
	s31 =	simm.s32 $0x300;
	s5 =	smul.u32 $0x28, s11  }
0x9: {  	[smem:$0x7FF] =	sst s3;
	s6 =	sand.u32 $0x1, s4;
	s4 =	smul.u32 $0x78, s11  }
0xa: {  	s7 =	smul.u32 $0x13C00, s11;
	s10 =	sadd.s32 $0x2800, s0;
	s22 =	sshll.u32 s11, $0x6  }
0xb: {  	p0 =	seq.s32 s6, $0x0;
	s8 =	smul.u32 $0x13C000, s6;
	_ =	strace $0x8000004A  }
0xc: {  	s6 =	ssub.s32 $0x2, s6;
	[dreg:$0x5] =	wrdreg s10;
	s11 =	sor.u32 $0x1C05, s22  }
0xd: {  	[dreg:$0x4] =	wrdreg s26;
	s22 =	simm.s32 $0x4;
	s26 =	simm.s32 $0x200  }
0xe: {  	s5 =	sadd.s32 $0x780, s5;
	s19 =	sshrl.u32 s6, $0x1;
	s21 =	sadd.s32 s7, s2  }
0xf: {  	s5 =	smov.u32 @p0 s4;
	s4 =	sadd.s32 $0x16E00, s0;
	s8 =	sadd.s32 s7, s8  }
0x10: {  	s20 =	ssub.s32 s6, s19;
	s6 =	simm.s32 $0xF;
	s19 =	simm.s32 $0x2  }
0x11: {  	s5 =	sshll.u32 s5, $0x4;
	s8 =	sshrl.u32 s8, $0x3;
	s6 =	simm.s32 @!p0 $0x5  }
0x12: {  	s23 =	smax.u32 s20, $0x1;
	s20 =	simm.s32 $0x3;
	[dreg:$0x6] =	wrdreg s6  }
0x13: {  	s9 =	sadd.s32 s5, s0;
	s0 =	sadd.s32 s8, s0;
	[dreg:$0x8] =	wrdreg s23  }
0x14: {  	s24 =	sadd.s32 s5, s1;
	s23 =	simm.s32 $0x180;
	s1 =	simm.s32 $0x700  }
0x15: {  	s5 =	simm.s32 $0x780;
	s8 =	simm.s32 $0x0;
	s0 =	sadd.s32 $0x3E000, s0  }
0x16: {  	[dreg:$0x9] =	wrdreg s24;
	s25 =	sadd.s32 $0xCE00, s9;
	s9 =	sshrl.u32 s21, $0x3  }
0x17: {  	s21 =	simm.s32 $0x100;
	s24 =	simm.s32 $0x500;
	[dreg:$0x7] =	wrdreg s0  }
0x18: {  	[dreg:$0xa] =	wrdreg s25;
	s25 =	simm.s32 $0x580;
	s0 =	simm.s32 $0x380  }
.LBB2_1:
0x19: {  	s6 =	rddreg [dreg:$0x5]  }
0x1a: {  	[spmem:s9], [sflag:s11] =	dma.local [hbm:s6], $0x2780  }
0x1b: {  	_ =	swait.ge [sflag:s13], $0x2780  }
0x1c: {  	[sflag:s13] =	ssyncset.done $0x0  }
0x1d: {  	[sflag:s13] =	ssyncadd.s32 $0xFFFFD880  }
0x1e: {  	[bflag:$0x0] =	sbarrier.arrive $0xFFFF  }
0x1f: {  	s7 =	smov.u32 s11;
	s11 =	rddreg [dreg:$0xa]  }
0x20: {  	[tilespmem:s3], [sflag:$0x5] =	stream.linear.gather [hbm4b:s11+s3], $0x400, $0x38;
	[tilespmem:$0x1C400] =	vst v63  }
0x21: {  	_ =	swait.ge [sflag:s13], $0x400  }
0x22: {  	[sflag:s13] =	ssyncset.done $0x0  }
0x23: {  	s10 =	rddreg [dreg:$0x9];
	[sflag:s13] =	ssyncadd.s32 $0xFFFFFC00  }
0x24: {  	[tilespmem:s14], [sflag:$0x5] =	stream.linear.gather [hbm4b:s10+s3], $0x400, $0x38;
	[tilespmem:$0x1C400] =	vst v63  }
0x25: {  	_ =	swait.ge [sflag:s13], $0x400  }
0x26: {  	[sflag:s13] =	ssyncset.done $0x0  }
0x27: {  	[sflag:s13] =	ssyncadd.s32 $0xFFFFFC00  }
0x28: {  	[tilespmem:s16], [sflag:$0x1] =	stream.indirect.gather [hbm4b:s4+s15], $0x80, s3, s15, $0xb8;
	[tilespmem:$0x1C400] =	vst v63  }
0x29: {  	_ = 	snop  }
0x2a: {  	[tilespmem:s17], [sflag:$0x2] =	stream.indirect.gather [hbm4b:s4+s15], $0x80, s15, s15, $0xb8;
	[tilespmem:$0x1C400] =	vst v63  }
0x2b: {  	_ =	swait.ge [sflag:s18], $0x4000  }
0x2c: {  	[sflag:s18] =	ssyncset.done $0x0  }
0x2d: {  	[sflag:s18] =	ssyncadd.s32 $0xFFFFC000  }
0x2e: {  	[spmem:s2] =	stream.indirect.scatter.add.f32 [tilespmem:s16], [sflag:$0x3], $0x80, s14, s15, $0xb8;
	[tilespmem:$0x1C400] =	vst v63  }
0x2f: {  	_ =	swait.ge [sflag:s19], $0x4000  }
0x30: {  	[sflag:s19] =	ssyncset.done $0x0  }
0x31: {  	s6 =	rddreg [dreg:$0x4];
	[sflag:s19] =	ssyncadd.s32 $0xFFFFC000  }
0x32: {  	[spmem:s2] =	stream.indirect.scatter.add.f32 [tilespmem:s17], [sflag:$0x4], $0x80, s6, s15, $0xb8;
	[tilespmem:$0x1C400] =	vst v63  }
0x33: {  	_ =	swait.ge [sflag:s20], $0x4000  }
0x34: {  	[sflag:s20] =	ssyncset.done $0x0  }
0x35: {  	[sflag:s20] =	ssyncadd.s32 $0xFFFFC000  }
0x36: {  	[tilespmem:s16], [sflag:$0x1] =	stream.indirect.gather [hbm4b:s4+s15], $0x80, s21, s15, $0xb8;
	[tilespmem:$0x1C400] =	vst v63  }
0x37: {  	_ =	swait.ge [sflag:s22], $0x4000  }
0x38: {  	[sflag:s22] =	ssyncset.done $0x0  }
0x39: {  	[sflag:s22] =	ssyncadd.s32 $0xFFFFC000  }
0x3a: {  	[tilespmem:s17], [sflag:$0x2] =	stream.indirect.gather [hbm4b:s4+s15], $0x80, s23, s15, $0xb8;
	[tilespmem:$0x1C400] =	vst v63  }
0x3b: {  	_ =	swait.ge [sflag:s18], $0x4000  }
0x3c: {  	[sflag:s18] =	ssyncset.done $0x0  }
0x3d: {  	[sflag:s18] =	ssyncadd.s32 $0xFFFFC000  }
0x3e: {  	[spmem:s2] =	stream.indirect.scatter.add.f32 [tilespmem:s16], [sflag:$0x3], $0x80, s24, s15, $0xb8;
	[tilespmem:$0x1C400] =	vst v63  }
0x3f: {  	_ =	swait.ge [sflag:s19], $0x4000  }
0x40: {  	[sflag:s19] =	ssyncset.done $0x0  }
0x41: {  	[sflag:s19] =	ssyncadd.s32 $0xFFFFC000  }
0x42: {  	[spmem:s2] =	stream.indirect.scatter.add.f32 [tilespmem:s17], [sflag:$0x4], $0x80, s25, s15, $0xb8;
	[tilespmem:$0x1C400] =	vst v63  }
0x43: {  	_ =	swait.ge [sflag:s20], $0x4000  }
0x44: {  	[sflag:s20] =	ssyncset.done $0x0  }
0x45: {  	[sflag:s20] =	ssyncadd.s32 $0xFFFFC000  }
0x46: {  	[tilespmem:s16], [sflag:$0x1] =	stream.indirect.gather [hbm4b:s4+s15], $0x80, s26, s15, $0xb8;
	[tilespmem:$0x1C400] =	vst v63  }
0x47: {  	_ =	swait.ge [sflag:s22], $0x4000  }
0x48: {  	[sflag:s22] =	ssyncset.done $0x0  }
0x49: {  	[sflag:s22] =	ssyncadd.s32 $0xFFFFC000  }
0x4a: {  	[tilespmem:s17], [sflag:$0x2] =	stream.indirect.gather [hbm4b:s4+s15], $0x80, s28, s15, $0xb8;
	[tilespmem:$0x1C400] =	vst v63  }
0x4b: {  	_ =	swait.ge [sflag:s18], $0x4000  }
0x4c: {  	[sflag:s18] =	ssyncset.done $0x0  }
0x4d: {  	[sflag:s18] =	ssyncadd.s32 $0xFFFFC000  }
0x4e: {  	[spmem:s2] =	stream.indirect.scatter.add.f32 [tilespmem:s16], [sflag:$0x3], $0x80, s29, s15, $0xb8;
	[tilespmem:$0x1C400] =	vst v63  }
0x4f: {  	_ =	swait.ge [sflag:s19], $0x4000  }
0x50: {  	[sflag:s19] =	ssyncset.done $0x0  }
0x51: {  	[sflag:s19] =	ssyncadd.s32 $0xFFFFC000  }
0x52: {  	[spmem:s2] =	stream.indirect.scatter.add.f32 [tilespmem:s17], [sflag:$0x4], $0x80, s30, s15, $0xb8;
	[tilespmem:$0x1C400] =	vst v63  }
0x53: {  	_ =	swait.ge [sflag:s20], $0x4000  }
0x54: {  	[sflag:s20] =	ssyncset.done $0x0  }
0x55: {  	[sflag:s20] =	ssyncadd.s32 $0xFFFFC000  }
0x56: {  	[tilespmem:s16], [sflag:$0x1] =	stream.indirect.gather [hbm4b:s4+s15], $0x80, s31, s15, $0xb8;
	[tilespmem:$0x1C400] =	vst v63  }
0x57: {  	_ =	swait.ge [sflag:s22], $0x4000  }
0x58: {  	[sflag:s22] =	ssyncset.done $0x0  }
0x59: {  	[sflag:s22] =	ssyncadd.s32 $0xFFFFC000  }
0x5a: {  	[tilespmem:s17], [sflag:$0x2] =	stream.indirect.gather [hbm4b:s4+s15], $0x80, s0, s15, $0xb8;
	[tilespmem:$0x1C400] =	vst v63  }
0x5b: {  	_ =	swait.ge [sflag:s18], $0x4000  }
0x5c: {  	[sflag:s18] =	ssyncset.done $0x0  }
0x5d: {  	[sflag:s18] =	ssyncadd.s32 $0xFFFFC000  }
0x5e: {  	[spmem:s2] =	stream.indirect.scatter.add.f32 [tilespmem:s16], [sflag:$0x3], $0x80, s1, s15, $0xb8;
	[tilespmem:$0x1C400] =	vst v63  }
0x5f: {  	_ =	swait.ge [sflag:s19], $0x4000  }
0x60: {  	[sflag:s19] =	ssyncset.done $0x0  }
0x61: {  	[sflag:s19] =	ssyncadd.s32 $0xFFFFC000  }
0x62: {  	[spmem:s2] =	stream.indirect.scatter.add.f32 [tilespmem:s17], [sflag:$0x4], $0x80, s5, s15, $0xb8;
	[tilespmem:$0x1C400] =	vst v63  }
0x63: {  	_ =	swait.ge [sflag:s20], $0x4000  }
0x64: {  	s12 =	smov.u32 s9;
	s9 =	rddreg [dreg:$0x6]  }
0x65: {  	p0 =	sne.s32 s9, $0x1  }
.Ltmp0:
0x66: {  	_ = 	snop;
	(pc) =	sbr.rel @!p0 .LBB2_3-.Ltmp0, $4  }
0x67: {  	[sflag:s20] =	ssyncset.done $0x0  }
0x68: {  	[sflag:s20] =	ssyncadd.s32 $0xFFFFC000  }
0x69: {  	_ =	swait.ge [sflag:s22], $0x4000  }
0x6a: {  	s9 =	sadd.s32 $0xFFFFFFFF, s9;
	[sflag:s22] =	ssyncset.done $0x0  }
.LBB2_2:
0x6b: {  	[sflag:s22] =	ssyncadd.s32 $0xFFFFC000;
	s11 =	sadd.s32 $0x80, s11  }
0x6c: {  	[tilespmem:s3], [sflag:$0x5] =	stream.linear.gather [hbm4b:s11+s3], $0x400, $0x38;
	[tilespmem:$0x1C400] =	vst v63  }
0x6d: {  	_ =	swait.ge [sflag:s13], $0x400  }
0x6e: {  	[sflag:s13] =	ssyncset.done $0x0  }
0x6f: {  	s10 =	sadd.s32 $0x80, s10;
	[sflag:s13] =	ssyncadd.s32 $0xFFFFFC00  }
0x70: {  	[tilespmem:s14], [sflag:$0x5] =	stream.linear.gather [hbm4b:s10+s3], $0x400, $0x38;
	[tilespmem:$0x1C400] =	vst v63  }
0x71: {  	_ =	swait.ge [sflag:s13], $0x400  }
0x72: {  	[sflag:s13] =	ssyncset.done $0x0  }
0x73: {  	[sflag:s13] =	ssyncadd.s32 $0xFFFFFC00  }
0x74: {  	[tilespmem:s16], [sflag:$0x1] =	stream.indirect.gather [hbm4b:s4+s15], $0x80, s3, s15, $0xb8;
	[tilespmem:$0x1C400] =	vst v63  }
0x75: {  	_ = 	snop  }
0x76: {  	[tilespmem:s17], [sflag:$0x2] =	stream.indirect.gather [hbm4b:s4+s15], $0x80, s15, s15, $0xb8;
	[tilespmem:$0x1C400] =	vst v63  }
0x77: {  	_ =	swait.ge [sflag:s18], $0x4000  }
0x78: {  	[sflag:s18] =	ssyncset.done $0x0  }
0x79: {  	[sflag:s18] =	ssyncadd.s32 $0xFFFFC000  }
0x7a: {  	[spmem:s2] =	stream.indirect.scatter.add.f32 [tilespmem:s16], [sflag:$0x3], $0x80, s14, s15, $0xb8;
	[tilespmem:$0x1C400] =	vst v63  }
0x7b: {  	_ =	swait.ge [sflag:s19], $0x4000  }
0x7c: {  	[sflag:s19] =	ssyncset.done $0x0  }
0x7d: {  	s6 =	rddreg [dreg:$0x4];
	[sflag:s19] =	ssyncadd.s32 $0xFFFFC000  }
0x7e: {  	[spmem:s2] =	stream.indirect.scatter.add.f32 [tilespmem:s17], [sflag:$0x4], $0x80, s6, s15, $0xb8;
	[tilespmem:$0x1C400] =	vst v63  }
0x7f: {  	_ =	swait.ge [sflag:s20], $0x4000  }
0x80: {  	[sflag:s20] =	ssyncset.done $0x0  }
0x81: {  	[sflag:s20] =	ssyncadd.s32 $0xFFFFC000  }
0x82: {  	[tilespmem:s16], [sflag:$0x1] =	stream.indirect.gather [hbm4b:s4+s15], $0x80, s21, s15, $0xb8;
	[tilespmem:$0x1C400] =	vst v63  }
0x83: {  	_ =	swait.ge [sflag:s22], $0x4000  }
0x84: {  	[sflag:s22] =	ssyncset.done $0x0  }
0x85: {  	[sflag:s22] =	ssyncadd.s32 $0xFFFFC000  }
0x86: {  	[tilespmem:s17], [sflag:$0x2] =	stream.indirect.gather [hbm4b:s4+s15], $0x80, s23, s15, $0xb8;
	[tilespmem:$0x1C400] =	vst v63  }
0x87: {  	_ =	swait.ge [sflag:s18], $0x4000  }
0x88: {  	[sflag:s18] =	ssyncset.done $0x0  }
0x89: {  	[sflag:s18] =	ssyncadd.s32 $0xFFFFC000  }
0x8a: {  	[spmem:s2] =	stream.indirect.scatter.add.f32 [tilespmem:s16], [sflag:$0x3], $0x80, s24, s15, $0xb8;
	[tilespmem:$0x1C400] =	vst v63  }
0x8b: {  	_ =	swait.ge [sflag:s19], $0x4000  }
0x8c: {  	[sflag:s19] =	ssyncset.done $0x0  }
0x8d: {  	[sflag:s19] =	ssyncadd.s32 $0xFFFFC000  }
0x8e: {  	[spmem:s2] =	stream.indirect.scatter.add.f32 [tilespmem:s17], [sflag:$0x4], $0x80, s25, s15, $0xb8;
	[tilespmem:$0x1C400] =	vst v63  }
0x8f: {  	_ =	swait.ge [sflag:s20], $0x4000  }
0x90: {  	[sflag:s20] =	ssyncset.done $0x0  }
0x91: {  	[sflag:s20] =	ssyncadd.s32 $0xFFFFC000  }
0x92: {  	[tilespmem:s16], [sflag:$0x1] =	stream.indirect.gather [hbm4b:s4+s15], $0x80, s26, s15, $0xb8;
	[tilespmem:$0x1C400] =	vst v63  }
0x93: {  	_ =	swait.ge [sflag:s22], $0x4000  }
0x94: {  	[sflag:s22] =	ssyncset.done $0x0  }
0x95: {  	[sflag:s22] =	ssyncadd.s32 $0xFFFFC000  }
0x96: {  	[tilespmem:s17], [sflag:$0x2] =	stream.indirect.gather [hbm4b:s4+s15], $0x80, s28, s15, $0xb8;
	[tilespmem:$0x1C400] =	vst v63  }
0x97: {  	_ =	swait.ge [sflag:s18], $0x4000  }
0x98: {  	[sflag:s18] =	ssyncset.done $0x0  }
0x99: {  	[sflag:s18] =	ssyncadd.s32 $0xFFFFC000  }
0x9a: {  	[spmem:s2] =	stream.indirect.scatter.add.f32 [tilespmem:s16], [sflag:$0x3], $0x80, s29, s15, $0xb8;
	[tilespmem:$0x1C400] =	vst v63  }
0x9b: {  	_ =	swait.ge [sflag:s19], $0x4000  }
0x9c: {  	[sflag:s19] =	ssyncset.done $0x0  }
0x9d: {  	[sflag:s19] =	ssyncadd.s32 $0xFFFFC000  }
0x9e: {  	[spmem:s2] =	stream.indirect.scatter.add.f32 [tilespmem:s17], [sflag:$0x4], $0x80, s30, s15, $0xb8;
	[tilespmem:$0x1C400] =	vst v63  }
0x9f: {  	_ =	swait.ge [sflag:s20], $0x4000  }
0xa0: {  	[sflag:s20] =	ssyncset.done $0x0  }
0xa1: {  	[sflag:s20] =	ssyncadd.s32 $0xFFFFC000  }
0xa2: {  	[tilespmem:s16], [sflag:$0x1] =	stream.indirect.gather [hbm4b:s4+s15], $0x80, s31, s15, $0xb8;
	[tilespmem:$0x1C400] =	vst v63  }
0xa3: {  	_ =	swait.ge [sflag:s22], $0x4000  }
0xa4: {  	[sflag:s22] =	ssyncset.done $0x0  }
0xa5: {  	[sflag:s22] =	ssyncadd.s32 $0xFFFFC000  }
0xa6: {  	[tilespmem:s17], [sflag:$0x2] =	stream.indirect.gather [hbm4b:s4+s15], $0x80, s0, s15, $0xb8;
	[tilespmem:$0x1C400] =	vst v63  }
0xa7: {  	_ =	swait.ge [sflag:s18], $0x4000  }
0xa8: {  	[sflag:s18] =	ssyncset.done $0x0  }
0xa9: {  	[sflag:s18] =	ssyncadd.s32 $0xFFFFC000  }
0xaa: {  	[spmem:s2] =	stream.indirect.scatter.add.f32 [tilespmem:s16], [sflag:$0x3], $0x80, s1, s15, $0xb8;
	[tilespmem:$0x1C400] =	vst v63  }
0xab: {  	_ =	swait.ge [sflag:s19], $0x4000  }
0xac: {  	[sflag:s19] =	ssyncset.done $0x0  }
0xad: {  	p0 =	sne.s32 s9, $0x1;
	[sflag:s19] =	ssyncadd.s32 $0xFFFFC000  }
0xae: {  	[spmem:s2] =	stream.indirect.scatter.add.f32 [tilespmem:s17], [sflag:$0x4], $0x80, s5, s15, $0xb8;
	[tilespmem:$0x1C400] =	vst v63  }
.Ltmp1:
0xaf: {  	_ =	swait.ge [sflag:s20], $0x4000;
	(pc) =	sbr.rel @p0 .LBB2_2-.Ltmp1, $4  }
0xb0: {  	[sflag:s20] =	ssyncset.done $0x0  }
0xb1: {  	[sflag:s20] =	ssyncadd.s32 $0xFFFFC000  }
0xb2: {  	_ =	swait.ge [sflag:s22], $0x4000  }
0xb3: {  	s9 =	sadd.s32 $0xFFFFFFFF, s9;
	[sflag:s22] =	ssyncset.done $0x0  }
.LBB2_3:
0xb4: {  	[sflag:s22] =	ssyncadd.s32 $0xFFFFC000  }
0xb5: {  	[bflag:$0x0] =	sbarrier.arrive $0xFFFF  }
0xb6: {  	s6 =	rddreg [dreg:$0x7]  }
0xb7: {  	[hbm:s6], [sflag:s7] =	dma.local [spmem:s12], $0x2780  }
0xb8: {  	_ =	swait.ge [sflag:s13], $0x2780  }
0xb9: {  	s9 =	smov.u32 s12;
	s8 =	sadd.s32 $0x1, s8;
	s12 =	rddreg [dreg:$0x8]  }
0xba: {  	p0 =	sne.s32 s8, s12  }
.Ltmp2:
0xbb: {  	_ = 	snop;
	(pc) =	sbr.rel @p0 .LBB2_1-.Ltmp2, $3  }
0xbc: {  	_ =	sdelay $0x1  }
0xbd: {  	[sflag:s13] =	ssyncset.done $0x0  }
0xbe: {  	s11 =	smov.u32 s7;
	[sflag:s13] =	ssyncadd.s32 $0xFFFFD880  }
0xbf: {  	_ =	sfence.sel $0x180000  }
0xc0: {  	[bflag:$0x0] =	sbarrier.arrive $0xFFFF  }
0xc1: {  	_ =	strace $0x9000004A  }
0xc2: {  	s0 =	stileid.u32;
	[bflag:$0x2] =	sbarrier.arrive $0xFFFF  }
0xc3: {  	p0 =	sne.s32 s0, $0x0;
	s0 =	rddreg [dreg:$0x3]  }
0xc4: {  	s0 =	sadd.s32 @!p0 $0x100000, s0  }
0xc5: {  	[sflag:s0] =	ssyncadd.tile.s32 @!p0 $0x1;
	_ =	shalt  }
.Lfunc_end2:
_tile_overlayer_lowered:
.L_overlay_start_2:
0xc6: {  	(tag) =	ssettag $0x2  }
0xc7: {  	s0 =	rddreg [dreg:$0x0];
	s2 =	stileid.u32  }
0xc8: {  	s1 =	rddreg [dreg:$0x1];
	p0 =	sne.s32 s2, $0x0  }
0xc9: {  	s3 =	rddreg [dreg:$0x2];
	[bflag:$0x3] =	sbarrier.arrive $0xFFFF;
	s2 =	simm.s32 @!p0 $0x1C05  }
0xca: {  	[timem:s3], [sflag:s2] =	dma.local @!p0 [hbm:s0], s1  }
0xcb: {  	s0 =	simm.s32 @!p0 $0x5  }
0xcc: {  	_ =	swait.ge @!p0 [sflag:s0], s1  }
0xcd: {  	s1 =	ssub.s32 @!p0 $0x0, s1;
	[sflag:s0] =	ssyncset.done @!p0 $0x0  }
0xce: {  	[sflag:s0] =	ssyncadd.s32 @!p0 s1  }
0xcf: {  	[bflag:$0x3] =	sbarrier.arrive $0xFFFF  }
0xd0: {  	_ =	shalt  }

// kernel: _run.14.cloned.1.call-start
scs
__scs_entry_jumppad:
0x0: {  	(pc) =	sbr.rel $0x88, $3  }
0x1: {  	(tag) =	ssettag $0x0;
	lr =	simm.s32 $0x1  }
0x2: {  	[smem:$0x3F9B] =	sst lr;
	_ =	strace $0xD0000000  }
0x3: {  	_ = 	snop  }
0x4: {  	_ = 	snop  }
0x5: {  	_ = 	snop  }
0x6: {  	_ = 	snop  }
0x7: {  	_ = 	snop  }
__scs_overlays_trampoline_lowered:
0x8: {  	[smem:$0x3FAA] =	sst s0  }
0x9: {  	[smem:$0x3FAB] =	sst s1  }
0xa: {  	[smem:$0x3FAC] =	sst s2  }
0xb: {  	[smem:$0x3FAD] =	sst s3  }
0xc: {  	[smem:$0x3FAE] =	sst s4  }
0xd: {  	[smem:$0x3FAF] =	sst s5  }
0xe: {  	[smem:$0x3FB0] =	sst s6  }
0xf: {  	[smem:$0x3FB1] =	sst s7  }
0x10: {  	[smem:$0x3FB2] =	sst s8  }
0x11: {  	[smem:$0x3FB3] =	sst s9;
	s0 =	simm.s32 @!p0 $0x0  }
0x12: {  	s1 =	sld [smem:$0x3F99];
	s0 =	simm.s32 @p0 $0x1  }
0x13: {  	[smem:$0x3FB4] =	sst s0;
	s0 =	simm.s32 @!p1 $0x0  }
0x14: {  	s2 =	sld [smem:$0x3F98];
	s0 =	simm.s32 @p1 $0x1  }
0x15: {  	[smem:$0x3FB5] =	sst s0;
	s0 =	simm.s32 @!p2 $0x0  }
0x16: {  	s3 =	sld [smem:$0x3FDB];
	s0 =	simm.s32 @p2 $0x1  }
0x17: {  	s4 =	simm.s32 $0x1BF5;
	[smem:$0x3FB7] =	sst s0  }
0x18: {  	s0 =	sld [smem:$0x3F9A];
	_ =	swait.ge [sflag:s4], $0x0  }
0x19: {  	s7 =	sld [smem:$0x3F9B]  }
0x1a: {  	s8 =	sadd.s32 $0xFFFFE003, lr  }
0x1b: {  	s9 =	sadd.s32 $0xFFFFFEF7, lr;
	s5 =	simm.s32 $0xFFFFFFFF;
	p2 =	slt.u32 s8, $0xFFFFF086  }
0x1c: {  	p1 =	slt.u32 s9, $0xF7A;
	s5 =	simm.s32 @!p2 $0x0  }
0x1d: {  	s5 =	simm.s32 @p1 $0x1;
	p0 =	seq.s32 s7, s2  }
0x1e: {  	s7 =	smul.u32 @!p0 $0xF7A, s2;
	p2 =	seq.s32 @!p0 s5, $0x0  }
0x1f: {  	s9 =	smul.u32 $0xF7A, s1;
	s8 =	simm.s32 @!p0 $0x1BF5;
	p2 =	por !p2, p0  }
0x20: {  	[sflag:s8] =	ssyncset.s32 @!p0 $0xFFFFF086;
	s6 =	sadd.s32 @!p0 s3, s7;
	s7 =	simm.s32 @!p0 $0x108  }
0x21: {  	s3 =	sadd.s32 s3, s9;
	s6 =	sadd.s32 @!p0 $0x88, s6;
	s7 =	simm.s32 @p2 $0x1082  }
0x22: {  	[simem:s7], [sflag:s8] =	dma.local @!p0 [hbm:s6], $0xF7A  }
0x23: {  	s9 =	sor.u32 $0xD0000000, s2;
	s6 =	simm.s32 $0x108;
	_ =	swait.ge @!p0 [sflag:s8], $0x0  }
0x24: {  	s3 =	sadd.s32 $0x88, s3;
	s6 =	simm.s32 @!p1 $0x1082;
	[sflag:s4] =	ssyncset.s32 $0xFFFFF086  }
0x25: {  	[simem:s6], [sflag:s4] =	dma.local [hbm:s3], $0xF7A  }
0x26: {  	[smem:$0x3F9B] =	sst s1;
	(tag) =	ssettag s2;
	_ =	strace s9  }
0x27: {  	s1 =	sld [smem:$0x3FAB]  }
0x28: {  	s2 =	sld [smem:$0x3FAC]  }
0x29: {  	s4 =	sld [smem:$0x3FAE]  }
0x2a: {  	p0 =	seq.s32 s5, $0x0;
	s5 =	sld [smem:$0x3FAF]  }
0x2b: {  	s6 =	sld [smem:$0x3FB0]  }
0x2c: {  	s7 =	sld [smem:$0x3FB1]  }
0x2d: {  	s3 =	simm.s32 $0x108;
	s8 =	sld [smem:$0x3FB2]  }
0x2e: {  	s3 =	simm.s32 @!p0 $0x1082;
	s9 =	sld [smem:$0x3FB3]  }
0x2f: {  	lr =	sadd.s32 s0, s3;
	s0 =	sld [smem:$0x3FAA]  }
0x30: {  	s3 =	sld [smem:$0x3FAD]  }
0x31: {  	[smem:$0x3FB6] =	sst s10  }
0x32: {  	s10 =	sld [smem:$0x3FB4];
	_ =	sdelay $0x3  }
0x33: {  	p0 =	seq.s32 s10, $0x1;
	s10 =	sld [smem:$0x3FB6];
	_ =	sdelay $0x3  }
0x34: {  	[smem:$0x3FB6] =	sst s10  }
0x35: {  	s10 =	sld [smem:$0x3FB5];
	_ =	sdelay $0x3  }
0x36: {  	p1 =	seq.s32 s10, $0x1;
	s10 =	sld [smem:$0x3FB6];
	_ =	sdelay $0x3  }
0x37: {  	[smem:$0x3FB6] =	sst s10  }
0x38: {  	s10 =	sld [smem:$0x3FB7]  }
0x39: {  	_ = 	snop;
	(pc) =	sbr.ind lr, $3  }
0x3a: {  	_ = 	snop  }
0x3b: {  	_ = 	snop  }
0x3c: {  	p2 =	seq.s32 s10, $0x1;
	s10 =	sld [smem:$0x3FB6]  }
0x3d: {  	_ =	shalt  }
0x3e: {  	_ =	shalt  }
0x3f: {  	_ =	shalt  }
0x40: {  	_ =	shalt  }
0x41: {  	_ =	shalt  }
0x42: {  	_ =	shalt  }
0x43: {  	_ =	shalt  }
0x44: {  	_ =	shalt  }
0x45: {  	_ =	shalt  }
0x46: {  	_ =	shalt  }
0x47: {  	_ =	shalt  }
0x48: {  	_ =	shalt  }
0x49: {  	_ =	shalt  }
0x4a: {  	_ =	shalt  }
0x4b: {  	_ =	shalt  }
0x4c: {  	_ =	shalt  }
0x4d: {  	_ =	shalt  }
0x4e: {  	_ =	shalt  }
0x4f: {  	_ =	shalt  }
0x50: {  	_ =	shalt  }
0x51: {  	_ =	shalt  }
0x52: {  	_ =	shalt  }
0x53: {  	_ =	shalt  }
0x54: {  	_ =	shalt  }
0x55: {  	_ =	shalt  }
0x56: {  	_ =	shalt  }
0x57: {  	_ =	shalt  }
0x58: {  	_ =	shalt  }
0x59: {  	_ =	shalt  }
0x5a: {  	_ =	shalt  }
0x5b: {  	_ =	shalt  }
0x5c: {  	_ =	shalt  }
0x5d: {  	_ =	shalt  }
0x5e: {  	_ =	shalt  }
0x5f: {  	_ =	shalt  }
0x60: {  	_ =	shalt  }
0x61: {  	_ =	shalt  }
0x62: {  	_ =	shalt  }
0x63: {  	_ =	shalt  }
0x64: {  	_ =	shalt  }
0x65: {  	_ =	shalt  }
0x66: {  	_ =	shalt  }
0x67: {  	_ =	shalt  }
0x68: {  	_ =	shalt  }
0x69: {  	_ =	shalt  }
0x6a: {  	_ =	shalt  }
0x6b: {  	_ =	shalt  }
0x6c: {  	_ =	shalt  }
0x6d: {  	_ =	shalt  }
0x6e: {  	_ =	shalt  }
0x6f: {  	_ =	shalt  }
0x70: {  	_ =	shalt  }
0x71: {  	_ =	shalt  }
0x72: {  	_ =	shalt  }
0x73: {  	_ =	shalt  }
0x74: {  	_ =	shalt  }
0x75: {  	_ =	shalt  }
0x76: {  	_ =	shalt  }
0x77: {  	_ =	shalt  }
0x78: {  	_ =	shalt  }
0x79: {  	_ =	shalt  }
0x7a: {  	_ =	shalt  }
0x7b: {  	_ =	shalt  }
0x7c: {  	_ =	shalt  }
0x7d: {  	_ =	shalt  }
0x7e: {  	_ =	shalt  }
0x7f: {  	_ =	shalt  }
0x80: {  	_ =	shalt  }
0x81: {  	_ =	shalt  }
0x82: {  	_ =	shalt  }
0x83: {  	_ =	shalt  }
0x84: {  	_ =	shalt  }
0x85: {  	_ =	shalt  }
0x86: {  	_ =	shalt  }
0x87: {  	_ =	shalt  }
.Lfunc_end0:
.L_simem_size_0:
called_computation.2_lowered:
.L_overlay_start_0:
0x88: {  	s2 =	sld [smem:$0x3FD9]  }
0x89: {  	s3 =	sld [smem:$0x3FFE];
	_ =	sdelay $0x1  }
0x8a: {  	s1 =	srdreg.scid  }
0x8b: {  	s0 =	sand.u32 $0x1, s1  }
0x8c: {  	s17 =	sshll.u32 s0, $0xA;
	s2 =	sadd.s32 s3, s2  }
0x8d: {  	s2 =	sadd.s32 s2, s17  }
0x8e: {  	[smem:$0x3FC2] =	sst s2  }
0x8f: {  	_ = 	snop  }
0x90: {  	s2 =	sld [smem:$0x3FD0];
	(tm) =	ssettm $0x1  }
0x91: {  	s18 =	sld [smem:$0x3FFB];
	_ =	sdelay $0x3  }
0x92: {  	_ =	strace s18  }
0x93: {  	s3 =	sld [smem:$0x3FFC];
	_ =	sdelay $0x3  }
0x94: {  	_ =	strace s3  }
0x95: {  	s3 =	sld [smem:$0x3FFD];
	_ =	sdelay $0x3  }
0x96: {  	_ =	strace s3  }
0x97: {  	_ =	strace $0x8FFFFFFF  }
0x98: {  	s19 =	sld [smem:$0x3FDB];
	_ =	sdelay $0x1  }
0x99: {  	s4 =	simm.s32 $_scs_section_size  }
0x9a: {  	s5 =	simm.s32 $_size__tile_overlayer_lowered;
	s6 =	simm.s32 $_tile_overlayer_lowered  }
0x9b: {  	s22 =	simm.s32 $0x1BFF;
	s21 =	sshll.u32 s6, $0x1;
	s3 =	sadd.s32 s4, s19  }
0x9c: {  	s7 =	simm.s32 $0x0;
	s20 =	sshll.u32 s5, $0x1;
	s5 =	sadd.s32 s21, s3  }
0x9d: {  	[timem:s7], [sflag:s22] =	dma.local [hbm:s5], s20  }
0x9e: {  	_ =	swait.ge [sflag:s22], s20  }
0x9f: {  	s4 =	ssub.s32 $0x0, s20;
	[sflag:s22] =	ssyncset.done $0x0  }
0xa0: {  	[sflag:s22] =	ssyncadd.s32 s4;
	_ =	sdelay $0x1  }
0xa1: {  	s23 =	simm.s32 $0x1B8B  }
0xa2: {  	_ =	swait.ge [sflag:s23], $0x1  }
0xa3: {  	[sflag:s23] =	ssyncset.done $0x0  }
0xa4: {  	s25 =	simm.s32 $0x1B8E;
	s24 =	sld [smem:$0x3FFE];
	[sflag:s23] =	ssyncadd.s32 $0xFFFFFFFF  }
0xa5: {  	s26 =	simm.s32 $execute0_lowered;
	[smem:$0x3FD2] =	sst s25  }
0xa6: {  	s5 =	sshll.u32 s26, $0x1;
	_ =	strace $0x8000004C;
	[dreg:$0x1] =	wrdreg $0xFFFFFFFF  }
0xa7: {  	s28 =	simm.s32 $_size_execute0_lowered;
	s3 =	sadd.s32 s3, s5;
	[dreg:$0x0] =	wrdreg $0x0  }
0xa8: {  	s5 =	sshll.u32 s28, $0x1;
	[dreg:$0x2] =	wrdreg s3  }
0xa9: {  	[dreg:$0x3] =	wrdreg s5  }
0xaa: {  	[dreg:$0x4] =	wrdreg $0xC0  }
0xab: {  	_ =	task [dreg:s7], $0x5FFFF  }
0xac: {  	[dreg:$0x1] =	wrdreg $0xFFFFFFFF  }
0xad: {  	[dreg:$0x0] =	wrdreg $0x60  }
0xae: {  	[dreg:$0x2] =	wrdreg s24  }
0xaf: {  	[dreg:$0x3] =	wrdreg s2  }
0xb0: {  	[dreg:$0x4] =	wrdreg $0x88000  }
0xb1: {  	[dreg:$0x5] =	wrdreg $0x9  }
0xb2: {  	_ =	task.clear_ibuf [dreg:s7], $0x6FFFF;
	_ =	strace $0x9000004C  }
0xb3: {  	s29 =	simm.s32 $0x9;
	_ =	strace $0x8000004E  }
0xb4: {  	_ =	swait.ge [sflag:s29], $0x1  }
0xb5: {  	[sflag:s29] =	ssyncadd.s32 $0xFFFFFFFF  }
0xb6: {  	_ =	strace $0x9000004E  }
0xb7: {  	_ =	sfence  }
0xb8: {  	s30 =	sld [smem:$0x0];
	_ =	sdelay $0x2  }
0xb9: {  	s31 =	sshll.u32 s1, $0xD;
	s1 =	sshrl.u32 s1, $0x2  }
0xba: {  	s3 =	sand.u32 $0x4000, s31;
	s1 =	sadd.s32 s1, s30  }
0xbb: {  	s0 =	sor.u32 s3, s0;
	s1 =	sshll.u32 s1, $0x11  }
0xbc: {  	s0 =	sor.u32 s1, s0  }
0xbd: {  	s0 =	sadd.s32 $0x8F2B, s0  }
0xbe: {  	[sflag:s0] =	ssyncadd.remote.s32 $0x1  }
0xbf: {  	_ =	sfence.sel $0xFFFF  }
0xc0: {  	[dreg:$0x0] =	wrdreg $0xFFFFFFFF;
	(pc) =	sbr.abs _section_cstart, $3  }
0xc1: {  	[dreg:$0x1] =	wrdreg $0xFFFFFFFF  }
0xc2: {  	_ =	task.clear_ibuf [dreg:s7], $0x2FFFF;
	_ =	strace $0x9FFFFFFF  }
0xc3: {  	(tm) =	ssettm $0x7FFFFFFF  }
tec
execute0_lowered:
.L_overlay_start_1:
0x0: {  	(tag) =	ssettag $0x1  }
0x1: {  	s0 =	rddreg [dreg:$0x0]  }
0x2: {  	s1 =	rddreg [dreg:$0x1]  }
0x3: {  	s2 =	rddreg [dreg:$0x2]  }
0x4: {  	s11 =	stileid.u32;
	s3 =	simm.s32 $0x0;
	s4 =	srdreg.scid  }
0x5: {  	s13 =	simm.s32 $0x5;
	s14 =	simm.s32 $0x400;
	s15 =	simm.s32 $0x80  }
0x6: {  	s16 =	simm.s32 $0x800;
	s17 =	simm.s32 $0x4800;
	s26 =	simm.s32 $0x480  }
0x7: {  	s18 =	simm.s32 $0x1;
	s28 =	simm.s32 $0x280;
	s29 =	simm.s32 $0x600  }
0x8: {  	s30 =	simm.s32 $0x680;
	s31 =	simm.s32 $0x300;
	s5 =	smul.u32 $0x28, s11  }
0x9: {  	[smem:$0x7FF] =	sst s3;
	s6 =	sand.u32 $0x1, s4;
	s4 =	smul.u32 $0x78, s11  }
0xa: {  	s7 =	smul.u32 $0x13C00, s11;
	s10 =	sadd.s32 $0x2800, s0;
	s22 =	sshll.u32 s11, $0x6  }
0xb: {  	p0 =	seq.s32 s6, $0x0;
	s8 =	smul.u32 $0x13C000, s6;
	_ =	strace $0x8000004D  }
0xc: {  	s6 =	ssub.s32 $0x2, s6;
	[dreg:$0x5] =	wrdreg s10;
	s11 =	sor.u32 $0x1C05, s22  }
0xd: {  	[dreg:$0x4] =	wrdreg s26;
	s22 =	simm.s32 $0x4;
	s26 =	simm.s32 $0x200  }
0xe: {  	s5 =	sadd.s32 $0x780, s5;
	s19 =	sshrl.u32 s6, $0x1;
	s21 =	sadd.s32 s7, s2  }
0xf: {  	s5 =	smov.u32 @p0 s4;
	s4 =	sadd.s32 $0x16E00, s0;
	s8 =	sadd.s32 s7, s8  }
0x10: {  	s20 =	ssub.s32 s6, s19;
	s6 =	simm.s32 $0xF;
	s19 =	simm.s32 $0x2  }
0x11: {  	s5 =	sshll.u32 s5, $0x4;
	s8 =	sshrl.u32 s8, $0x3;
	s6 =	simm.s32 @!p0 $0x5  }
0x12: {  	s23 =	smax.u32 s20, $0x1;
	s20 =	simm.s32 $0x3;
	[dreg:$0x6] =	wrdreg s6  }
0x13: {  	s9 =	sadd.s32 s5, s0;
	s0 =	sadd.s32 s8, s0;
	[dreg:$0x8] =	wrdreg s23  }
0x14: {  	s24 =	sadd.s32 s5, s1;
	s23 =	simm.s32 $0x180;
	s1 =	simm.s32 $0x700  }
0x15: {  	s5 =	simm.s32 $0x780;
	s8 =	simm.s32 $0x0;
	s0 =	sadd.s32 $0x3E000, s0  }
0x16: {  	[dreg:$0x9] =	wrdreg s24;
	s25 =	sadd.s32 $0xCE00, s9;
	s9 =	sshrl.u32 s21, $0x3  }
0x17: {  	s21 =	simm.s32 $0x100;
	s24 =	simm.s32 $0x500;
	[dreg:$0x7] =	wrdreg s0  }
0x18: {  	[dreg:$0xa] =	wrdreg s25;
	s25 =	simm.s32 $0x580;
	s0 =	simm.s32 $0x380  }
.LBB2_1:
0x19: {  	s6 =	rddreg [dreg:$0x5]  }
0x1a: {  	[spmem:s9], [sflag:s11] =	dma.local [hbm:s6], $0x2780  }
0x1b: {  	_ =	swait.ge [sflag:s13], $0x2780  }
0x1c: {  	[sflag:s13] =	ssyncset.done $0x0  }
0x1d: {  	[sflag:s13] =	ssyncadd.s32 $0xFFFFD880  }
0x1e: {  	[bflag:$0x0] =	sbarrier.arrive $0xFFFF  }
0x1f: {  	s7 =	smov.u32 s11;
	s11 =	rddreg [dreg:$0xa]  }
0x20: {  	[tilespmem:s3], [sflag:$0x5] =	stream.linear.gather [hbm4b:s11+s3], $0x400, $0x38;
	[tilespmem:$0x1C400] =	vst v63  }
0x21: {  	_ =	swait.ge [sflag:s13], $0x400  }
0x22: {  	[sflag:s13] =	ssyncset.done $0x0  }
0x23: {  	s10 =	rddreg [dreg:$0x9];
	[sflag:s13] =	ssyncadd.s32 $0xFFFFFC00  }
0x24: {  	[tilespmem:s14], [sflag:$0x5] =	stream.linear.gather [hbm4b:s10+s3], $0x400, $0x38;
	[tilespmem:$0x1C400] =	vst v63  }
0x25: {  	_ =	swait.ge [sflag:s13], $0x400  }
0x26: {  	[sflag:s13] =	ssyncset.done $0x0  }
0x27: {  	[sflag:s13] =	ssyncadd.s32 $0xFFFFFC00  }
0x28: {  	[tilespmem:s16], [sflag:$0x1] =	stream.indirect.gather [hbm4b:s4+s15], $0x80, s3, s15, $0xb8;
	[tilespmem:$0x1C400] =	vst v63  }
0x29: {  	_ = 	snop  }
0x2a: {  	[tilespmem:s17], [sflag:$0x2] =	stream.indirect.gather [hbm4b:s4+s15], $0x80, s15, s15, $0xb8;
	[tilespmem:$0x1C400] =	vst v63  }
0x2b: {  	_ =	swait.ge [sflag:s18], $0x4000  }
0x2c: {  	[sflag:s18] =	ssyncset.done $0x0  }
0x2d: {  	[sflag:s18] =	ssyncadd.s32 $0xFFFFC000  }
0x2e: {  	[spmem:s2] =	stream.indirect.scatter.add.f32 [tilespmem:s16], [sflag:$0x3], $0x80, s14, s15, $0xb8;
	[tilespmem:$0x1C400] =	vst v63  }
0x2f: {  	_ =	swait.ge [sflag:s19], $0x4000  }
0x30: {  	[sflag:s19] =	ssyncset.done $0x0  }
0x31: {  	s6 =	rddreg [dreg:$0x4];
	[sflag:s19] =	ssyncadd.s32 $0xFFFFC000  }
0x32: {  	[spmem:s2] =	stream.indirect.scatter.add.f32 [tilespmem:s17], [sflag:$0x4], $0x80, s6, s15, $0xb8;
	[tilespmem:$0x1C400] =	vst v63  }
0x33: {  	_ =	swait.ge [sflag:s20], $0x4000  }
0x34: {  	[sflag:s20] =	ssyncset.done $0x0  }
0x35: {  	[sflag:s20] =	ssyncadd.s32 $0xFFFFC000  }
0x36: {  	[tilespmem:s16], [sflag:$0x1] =	stream.indirect.gather [hbm4b:s4+s15], $0x80, s21, s15, $0xb8;
	[tilespmem:$0x1C400] =	vst v63  }
0x37: {  	_ =	swait.ge [sflag:s22], $0x4000  }
0x38: {  	[sflag:s22] =	ssyncset.done $0x0  }
0x39: {  	[sflag:s22] =	ssyncadd.s32 $0xFFFFC000  }
0x3a: {  	[tilespmem:s17], [sflag:$0x2] =	stream.indirect.gather [hbm4b:s4+s15], $0x80, s23, s15, $0xb8;
	[tilespmem:$0x1C400] =	vst v63  }
0x3b: {  	_ =	swait.ge [sflag:s18], $0x4000  }
0x3c: {  	[sflag:s18] =	ssyncset.done $0x0  }
0x3d: {  	[sflag:s18] =	ssyncadd.s32 $0xFFFFC000  }
0x3e: {  	[spmem:s2] =	stream.indirect.scatter.add.f32 [tilespmem:s16], [sflag:$0x3], $0x80, s24, s15, $0xb8;
	[tilespmem:$0x1C400] =	vst v63  }
0x3f: {  	_ =	swait.ge [sflag:s19], $0x4000  }
0x40: {  	[sflag:s19] =	ssyncset.done $0x0  }
0x41: {  	[sflag:s19] =	ssyncadd.s32 $0xFFFFC000  }
0x42: {  	[spmem:s2] =	stream.indirect.scatter.add.f32 [tilespmem:s17], [sflag:$0x4], $0x80, s25, s15, $0xb8;
	[tilespmem:$0x1C400] =	vst v63  }
0x43: {  	_ =	swait.ge [sflag:s20], $0x4000  }
0x44: {  	[sflag:s20] =	ssyncset.done $0x0  }
0x45: {  	[sflag:s20] =	ssyncadd.s32 $0xFFFFC000  }
0x46: {  	[tilespmem:s16], [sflag:$0x1] =	stream.indirect.gather [hbm4b:s4+s15], $0x80, s26, s15, $0xb8;
	[tilespmem:$0x1C400] =	vst v63  }
0x47: {  	_ =	swait.ge [sflag:s22], $0x4000  }
0x48: {  	[sflag:s22] =	ssyncset.done $0x0  }
0x49: {  	[sflag:s22] =	ssyncadd.s32 $0xFFFFC000  }
0x4a: {  	[tilespmem:s17], [sflag:$0x2] =	stream.indirect.gather [hbm4b:s4+s15], $0x80, s28, s15, $0xb8;
	[tilespmem:$0x1C400] =	vst v63  }
0x4b: {  	_ =	swait.ge [sflag:s18], $0x4000  }
0x4c: {  	[sflag:s18] =	ssyncset.done $0x0  }
0x4d: {  	[sflag:s18] =	ssyncadd.s32 $0xFFFFC000  }
0x4e: {  	[spmem:s2] =	stream.indirect.scatter.add.f32 [tilespmem:s16], [sflag:$0x3], $0x80, s29, s15, $0xb8;
	[tilespmem:$0x1C400] =	vst v63  }
0x4f: {  	_ =	swait.ge [sflag:s19], $0x4000  }
0x50: {  	[sflag:s19] =	ssyncset.done $0x0  }
0x51: {  	[sflag:s19] =	ssyncadd.s32 $0xFFFFC000  }
0x52: {  	[spmem:s2] =	stream.indirect.scatter.add.f32 [tilespmem:s17], [sflag:$0x4], $0x80, s30, s15, $0xb8;
	[tilespmem:$0x1C400] =	vst v63  }
0x53: {  	_ =	swait.ge [sflag:s20], $0x4000  }
0x54: {  	[sflag:s20] =	ssyncset.done $0x0  }
0x55: {  	[sflag:s20] =	ssyncadd.s32 $0xFFFFC000  }
0x56: {  	[tilespmem:s16], [sflag:$0x1] =	stream.indirect.gather [hbm4b:s4+s15], $0x80, s31, s15, $0xb8;
	[tilespmem:$0x1C400] =	vst v63  }
0x57: {  	_ =	swait.ge [sflag:s22], $0x4000  }
0x58: {  	[sflag:s22] =	ssyncset.done $0x0  }
0x59: {  	[sflag:s22] =	ssyncadd.s32 $0xFFFFC000  }
0x5a: {  	[tilespmem:s17], [sflag:$0x2] =	stream.indirect.gather [hbm4b:s4+s15], $0x80, s0, s15, $0xb8;
	[tilespmem:$0x1C400] =	vst v63  }
0x5b: {  	_ =	swait.ge [sflag:s18], $0x4000  }
0x5c: {  	[sflag:s18] =	ssyncset.done $0x0  }
0x5d: {  	[sflag:s18] =	ssyncadd.s32 $0xFFFFC000  }
0x5e: {  	[spmem:s2] =	stream.indirect.scatter.add.f32 [tilespmem:s16], [sflag:$0x3], $0x80, s1, s15, $0xb8;
	[tilespmem:$0x1C400] =	vst v63  }
0x5f: {  	_ =	swait.ge [sflag:s19], $0x4000  }
0x60: {  	[sflag:s19] =	ssyncset.done $0x0  }
0x61: {  	[sflag:s19] =	ssyncadd.s32 $0xFFFFC000  }
0x62: {  	[spmem:s2] =	stream.indirect.scatter.add.f32 [tilespmem:s17], [sflag:$0x4], $0x80, s5, s15, $0xb8;
	[tilespmem:$0x1C400] =	vst v63  }
0x63: {  	_ =	swait.ge [sflag:s20], $0x4000  }
0x64: {  	s12 =	smov.u32 s9;
	s9 =	rddreg [dreg:$0x6]  }
0x65: {  	p0 =	sne.s32 s9, $0x1  }
.Ltmp0:
0x66: {  	_ = 	snop;
	(pc) =	sbr.rel @!p0 .LBB2_3-.Ltmp0, $4  }
0x67: {  	[sflag:s20] =	ssyncset.done $0x0  }
0x68: {  	[sflag:s20] =	ssyncadd.s32 $0xFFFFC000  }
0x69: {  	_ =	swait.ge [sflag:s22], $0x4000  }
0x6a: {  	s9 =	sadd.s32 $0xFFFFFFFF, s9;
	[sflag:s22] =	ssyncset.done $0x0  }
.LBB2_2:
0x6b: {  	[sflag:s22] =	ssyncadd.s32 $0xFFFFC000;
	s11 =	sadd.s32 $0x80, s11  }
0x6c: {  	[tilespmem:s3], [sflag:$0x5] =	stream.linear.gather [hbm4b:s11+s3], $0x400, $0x38;
	[tilespmem:$0x1C400] =	vst v63  }
0x6d: {  	_ =	swait.ge [sflag:s13], $0x400  }
0x6e: {  	[sflag:s13] =	ssyncset.done $0x0  }
0x6f: {  	s10 =	sadd.s32 $0x80, s10;
	[sflag:s13] =	ssyncadd.s32 $0xFFFFFC00  }
0x70: {  	[tilespmem:s14], [sflag:$0x5] =	stream.linear.gather [hbm4b:s10+s3], $0x400, $0x38;
	[tilespmem:$0x1C400] =	vst v63  }
0x71: {  	_ =	swait.ge [sflag:s13], $0x400  }
0x72: {  	[sflag:s13] =	ssyncset.done $0x0  }
0x73: {  	[sflag:s13] =	ssyncadd.s32 $0xFFFFFC00  }
0x74: {  	[tilespmem:s16], [sflag:$0x1] =	stream.indirect.gather [hbm4b:s4+s15], $0x80, s3, s15, $0xb8;
	[tilespmem:$0x1C400] =	vst v63  }
0x75: {  	_ = 	snop  }
0x76: {  	[tilespmem:s17], [sflag:$0x2] =	stream.indirect.gather [hbm4b:s4+s15], $0x80, s15, s15, $0xb8;
	[tilespmem:$0x1C400] =	vst v63  }
0x77: {  	_ =	swait.ge [sflag:s18], $0x4000  }
0x78: {  	[sflag:s18] =	ssyncset.done $0x0  }
0x79: {  	[sflag:s18] =	ssyncadd.s32 $0xFFFFC000  }
0x7a: {  	[spmem:s2] =	stream.indirect.scatter.add.f32 [tilespmem:s16], [sflag:$0x3], $0x80, s14, s15, $0xb8;
	[tilespmem:$0x1C400] =	vst v63  }
0x7b: {  	_ =	swait.ge [sflag:s19], $0x4000  }
0x7c: {  	[sflag:s19] =	ssyncset.done $0x0  }
0x7d: {  	s6 =	rddreg [dreg:$0x4];
	[sflag:s19] =	ssyncadd.s32 $0xFFFFC000  }
0x7e: {  	[spmem:s2] =	stream.indirect.scatter.add.f32 [tilespmem:s17], [sflag:$0x4], $0x80, s6, s15, $0xb8;
	[tilespmem:$0x1C400] =	vst v63  }
0x7f: {  	_ =	swait.ge [sflag:s20], $0x4000  }
0x80: {  	[sflag:s20] =	ssyncset.done $0x0  }
0x81: {  	[sflag:s20] =	ssyncadd.s32 $0xFFFFC000  }
0x82: {  	[tilespmem:s16], [sflag:$0x1] =	stream.indirect.gather [hbm4b:s4+s15], $0x80, s21, s15, $0xb8;
	[tilespmem:$0x1C400] =	vst v63  }
0x83: {  	_ =	swait.ge [sflag:s22], $0x4000  }
0x84: {  	[sflag:s22] =	ssyncset.done $0x0  }
0x85: {  	[sflag:s22] =	ssyncadd.s32 $0xFFFFC000  }
0x86: {  	[tilespmem:s17], [sflag:$0x2] =	stream.indirect.gather [hbm4b:s4+s15], $0x80, s23, s15, $0xb8;
	[tilespmem:$0x1C400] =	vst v63  }
0x87: {  	_ =	swait.ge [sflag:s18], $0x4000  }
0x88: {  	[sflag:s18] =	ssyncset.done $0x0  }
0x89: {  	[sflag:s18] =	ssyncadd.s32 $0xFFFFC000  }
0x8a: {  	[spmem:s2] =	stream.indirect.scatter.add.f32 [tilespmem:s16], [sflag:$0x3], $0x80, s24, s15, $0xb8;
	[tilespmem:$0x1C400] =	vst v63  }
0x8b: {  	_ =	swait.ge [sflag:s19], $0x4000  }
0x8c: {  	[sflag:s19] =	ssyncset.done $0x0  }
0x8d: {  	[sflag:s19] =	ssyncadd.s32 $0xFFFFC000  }
0x8e: {  	[spmem:s2] =	stream.indirect.scatter.add.f32 [tilespmem:s17], [sflag:$0x4], $0x80, s25, s15, $0xb8;
	[tilespmem:$0x1C400] =	vst v63  }
0x8f: {  	_ =	swait.ge [sflag:s20], $0x4000  }
0x90: {  	[sflag:s20] =	ssyncset.done $0x0  }
0x91: {  	[sflag:s20] =	ssyncadd.s32 $0xFFFFC000  }
0x92: {  	[tilespmem:s16], [sflag:$0x1] =	stream.indirect.gather [hbm4b:s4+s15], $0x80, s26, s15, $0xb8;
	[tilespmem:$0x1C400] =	vst v63  }
0x93: {  	_ =	swait.ge [sflag:s22], $0x4000  }
0x94: {  	[sflag:s22] =	ssyncset.done $0x0  }
0x95: {  	[sflag:s22] =	ssyncadd.s32 $0xFFFFC000  }
0x96: {  	[tilespmem:s17], [sflag:$0x2] =	stream.indirect.gather [hbm4b:s4+s15], $0x80, s28, s15, $0xb8;
	[tilespmem:$0x1C400] =	vst v63  }
0x97: {  	_ =	swait.ge [sflag:s18], $0x4000  }
0x98: {  	[sflag:s18] =	ssyncset.done $0x0  }
0x99: {  	[sflag:s18] =	ssyncadd.s32 $0xFFFFC000  }
0x9a: {  	[spmem:s2] =	stream.indirect.scatter.add.f32 [tilespmem:s16], [sflag:$0x3], $0x80, s29, s15, $0xb8;
	[tilespmem:$0x1C400] =	vst v63  }
0x9b: {  	_ =	swait.ge [sflag:s19], $0x4000  }
0x9c: {  	[sflag:s19] =	ssyncset.done $0x0  }
0x9d: {  	[sflag:s19] =	ssyncadd.s32 $0xFFFFC000  }
0x9e: {  	[spmem:s2] =	stream.indirect.scatter.add.f32 [tilespmem:s17], [sflag:$0x4], $0x80, s30, s15, $0xb8;
	[tilespmem:$0x1C400] =	vst v63  }
0x9f: {  	_ =	swait.ge [sflag:s20], $0x4000  }
0xa0: {  	[sflag:s20] =	ssyncset.done $0x0  }
0xa1: {  	[sflag:s20] =	ssyncadd.s32 $0xFFFFC000  }
0xa2: {  	[tilespmem:s16], [sflag:$0x1] =	stream.indirect.gather [hbm4b:s4+s15], $0x80, s31, s15, $0xb8;
	[tilespmem:$0x1C400] =	vst v63  }
0xa3: {  	_ =	swait.ge [sflag:s22], $0x4000  }
0xa4: {  	[sflag:s22] =	ssyncset.done $0x0  }
0xa5: {  	[sflag:s22] =	ssyncadd.s32 $0xFFFFC000  }
0xa6: {  	[tilespmem:s17], [sflag:$0x2] =	stream.indirect.gather [hbm4b:s4+s15], $0x80, s0, s15, $0xb8;
	[tilespmem:$0x1C400] =	vst v63  }
0xa7: {  	_ =	swait.ge [sflag:s18], $0x4000  }
0xa8: {  	[sflag:s18] =	ssyncset.done $0x0  }
0xa9: {  	[sflag:s18] =	ssyncadd.s32 $0xFFFFC000  }
0xaa: {  	[spmem:s2] =	stream.indirect.scatter.add.f32 [tilespmem:s16], [sflag:$0x3], $0x80, s1, s15, $0xb8;
	[tilespmem:$0x1C400] =	vst v63  }
0xab: {  	_ =	swait.ge [sflag:s19], $0x4000  }
0xac: {  	[sflag:s19] =	ssyncset.done $0x0  }
0xad: {  	p0 =	sne.s32 s9, $0x1;
	[sflag:s19] =	ssyncadd.s32 $0xFFFFC000  }
0xae: {  	[spmem:s2] =	stream.indirect.scatter.add.f32 [tilespmem:s17], [sflag:$0x4], $0x80, s5, s15, $0xb8;
	[tilespmem:$0x1C400] =	vst v63  }
.Ltmp1:
0xaf: {  	_ =	swait.ge [sflag:s20], $0x4000;
	(pc) =	sbr.rel @p0 .LBB2_2-.Ltmp1, $4  }
0xb0: {  	[sflag:s20] =	ssyncset.done $0x0  }
0xb1: {  	[sflag:s20] =	ssyncadd.s32 $0xFFFFC000  }
0xb2: {  	_ =	swait.ge [sflag:s22], $0x4000  }
0xb3: {  	s9 =	sadd.s32 $0xFFFFFFFF, s9;
	[sflag:s22] =	ssyncset.done $0x0  }
.LBB2_3:
0xb4: {  	[sflag:s22] =	ssyncadd.s32 $0xFFFFC000  }
0xb5: {  	[bflag:$0x0] =	sbarrier.arrive $0xFFFF  }
0xb6: {  	s6 =	rddreg [dreg:$0x7]  }
0xb7: {  	[hbm:s6], [sflag:s7] =	dma.local [spmem:s12], $0x2780  }
0xb8: {  	_ =	swait.ge [sflag:s13], $0x2780  }
0xb9: {  	s9 =	smov.u32 s12;
	s8 =	sadd.s32 $0x1, s8;
	s12 =	rddreg [dreg:$0x8]  }
0xba: {  	p0 =	sne.s32 s8, s12  }
.Ltmp2:
0xbb: {  	_ = 	snop;
	(pc) =	sbr.rel @p0 .LBB2_1-.Ltmp2, $3  }
0xbc: {  	_ =	sdelay $0x1  }
0xbd: {  	[sflag:s13] =	ssyncset.done $0x0  }
0xbe: {  	s11 =	smov.u32 s7;
	[sflag:s13] =	ssyncadd.s32 $0xFFFFD880  }
0xbf: {  	_ =	sfence.sel $0x180000  }
0xc0: {  	[bflag:$0x0] =	sbarrier.arrive $0xFFFF  }
0xc1: {  	_ =	strace $0x9000004D  }
0xc2: {  	s0 =	stileid.u32;
	[bflag:$0x2] =	sbarrier.arrive $0xFFFF  }
0xc3: {  	p0 =	sne.s32 s0, $0x0;
	s0 =	rddreg [dreg:$0x3]  }
0xc4: {  	s0 =	sadd.s32 @!p0 $0x100000, s0  }
0xc5: {  	[sflag:s0] =	ssyncadd.tile.s32 @!p0 $0x1;
	_ =	shalt  }
.Lfunc_end2:
_tile_overlayer_lowered:
.L_overlay_start_2:
0xc6: {  	(tag) =	ssettag $0x2  }
0xc7: {  	s0 =	rddreg [dreg:$0x0];
	s2 =	stileid.u32  }
0xc8: {  	s1 =	rddreg [dreg:$0x1];
	p0 =	sne.s32 s2, $0x0  }
0xc9: {  	s3 =	rddreg [dreg:$0x2];
	[bflag:$0x3] =	sbarrier.arrive $0xFFFF;
	s2 =	simm.s32 @!p0 $0x1C05  }
0xca: {  	[timem:s3], [sflag:s2] =	dma.local @!p0 [hbm:s0], s1  }
0xcb: {  	s0 =	simm.s32 @!p0 $0x5  }
0xcc: {  	_ =	swait.ge @!p0 [sflag:s0], s1  }
0xcd: {  	s1 =	ssub.s32 @!p0 $0x0, s1;
	[sflag:s0] =	ssyncset.done @!p0 $0x0  }
0xce: {  	[sflag:s0] =	ssyncadd.s32 @!p0 s1  }
0xcf: {  	[bflag:$0x3] =	sbarrier.arrive $0xFFFF  }
0xd0: {  	_ =	shalt  }

// kernel: _run.8.cloned.1.call-start
scs
__scs_entry_jumppad:
0x0: {  	(pc) =	sbr.rel $0x88, $3  }
0x1: {  	(tag) =	ssettag $0x0;
	lr =	simm.s32 $0x1  }
0x2: {  	[smem:$0x3F9B] =	sst lr;
	_ =	strace $0xD0000000  }
0x3: {  	_ = 	snop  }
0x4: {  	_ = 	snop  }
0x5: {  	_ = 	snop  }
0x6: {  	_ = 	snop  }
0x7: {  	_ = 	snop  }
__scs_overlays_trampoline_lowered:
0x8: {  	[smem:$0x3FAA] =	sst s0  }
0x9: {  	[smem:$0x3FAB] =	sst s1  }
0xa: {  	[smem:$0x3FAC] =	sst s2  }
0xb: {  	[smem:$0x3FAD] =	sst s3  }
0xc: {  	[smem:$0x3FAE] =	sst s4  }
0xd: {  	[smem:$0x3FAF] =	sst s5  }
0xe: {  	[smem:$0x3FB0] =	sst s6  }
0xf: {  	[smem:$0x3FB1] =	sst s7  }
0x10: {  	[smem:$0x3FB2] =	sst s8  }
0x11: {  	[smem:$0x3FB3] =	sst s9;
	s0 =	simm.s32 @!p0 $0x0  }
0x12: {  	s1 =	sld [smem:$0x3F99];
	s0 =	simm.s32 @p0 $0x1  }
0x13: {  	[smem:$0x3FB4] =	sst s0;
	s0 =	simm.s32 @!p1 $0x0  }
0x14: {  	s2 =	sld [smem:$0x3F98];
	s0 =	simm.s32 @p1 $0x1  }
0x15: {  	[smem:$0x3FB5] =	sst s0;
	s0 =	simm.s32 @!p2 $0x0  }
0x16: {  	s3 =	sld [smem:$0x3FDB];
	s0 =	simm.s32 @p2 $0x1  }
0x17: {  	s4 =	simm.s32 $0x1BF5;
	[smem:$0x3FB7] =	sst s0  }
0x18: {  	s0 =	sld [smem:$0x3F9A];
	_ =	swait.ge [sflag:s4], $0x0  }
0x19: {  	s7 =	sld [smem:$0x3F9B]  }
0x1a: {  	s8 =	sadd.s32 $0xFFFFE003, lr  }
0x1b: {  	s9 =	sadd.s32 $0xFFFFFEF7, lr;
	s5 =	simm.s32 $0xFFFFFFFF;
	p2 =	slt.u32 s8, $0xFFFFF086  }
0x1c: {  	p1 =	slt.u32 s9, $0xF7A;
	s5 =	simm.s32 @!p2 $0x0  }
0x1d: {  	s5 =	simm.s32 @p1 $0x1;
	p0 =	seq.s32 s7, s2  }
0x1e: {  	s7 =	smul.u32 @!p0 $0xF7A, s2;
	p2 =	seq.s32 @!p0 s5, $0x0  }
0x1f: {  	s9 =	smul.u32 $0xF7A, s1;
	s8 =	simm.s32 @!p0 $0x1BF5;
	p2 =	por !p2, p0  }
0x20: {  	[sflag:s8] =	ssyncset.s32 @!p0 $0xFFFFF086;
	s6 =	sadd.s32 @!p0 s3, s7;
	s7 =	simm.s32 @!p0 $0x108  }
0x21: {  	s3 =	sadd.s32 s3, s9;
	s6 =	sadd.s32 @!p0 $0x88, s6;
	s7 =	simm.s32 @p2 $0x1082  }
0x22: {  	[simem:s7], [sflag:s8] =	dma.local @!p0 [hbm:s6], $0xF7A  }
0x23: {  	s9 =	sor.u32 $0xD0000000, s2;
	s6 =	simm.s32 $0x108;
	_ =	swait.ge @!p0 [sflag:s8], $0x0  }
0x24: {  	s3 =	sadd.s32 $0x88, s3;
	s6 =	simm.s32 @!p1 $0x1082;
	[sflag:s4] =	ssyncset.s32 $0xFFFFF086  }
0x25: {  	[simem:s6], [sflag:s4] =	dma.local [hbm:s3], $0xF7A  }
0x26: {  	[smem:$0x3F9B] =	sst s1;
	(tag) =	ssettag s2;
	_ =	strace s9  }
0x27: {  	s1 =	sld [smem:$0x3FAB]  }
0x28: {  	s2 =	sld [smem:$0x3FAC]  }
0x29: {  	s4 =	sld [smem:$0x3FAE]  }
0x2a: {  	p0 =	seq.s32 s5, $0x0;
	s5 =	sld [smem:$0x3FAF]  }
0x2b: {  	s6 =	sld [smem:$0x3FB0]  }
0x2c: {  	s7 =	sld [smem:$0x3FB1]  }
0x2d: {  	s3 =	simm.s32 $0x108;
	s8 =	sld [smem:$0x3FB2]  }
0x2e: {  	s3 =	simm.s32 @!p0 $0x1082;
	s9 =	sld [smem:$0x3FB3]  }
0x2f: {  	lr =	sadd.s32 s0, s3;
	s0 =	sld [smem:$0x3FAA]  }
0x30: {  	s3 =	sld [smem:$0x3FAD]  }
0x31: {  	[smem:$0x3FB6] =	sst s10  }
0x32: {  	s10 =	sld [smem:$0x3FB4];
	_ =	sdelay $0x3  }
0x33: {  	p0 =	seq.s32 s10, $0x1;
	s10 =	sld [smem:$0x3FB6];
	_ =	sdelay $0x3  }
0x34: {  	[smem:$0x3FB6] =	sst s10  }
0x35: {  	s10 =	sld [smem:$0x3FB5];
	_ =	sdelay $0x3  }
0x36: {  	p1 =	seq.s32 s10, $0x1;
	s10 =	sld [smem:$0x3FB6];
	_ =	sdelay $0x3  }
0x37: {  	[smem:$0x3FB6] =	sst s10  }
0x38: {  	s10 =	sld [smem:$0x3FB7]  }
0x39: {  	_ = 	snop;
	(pc) =	sbr.ind lr, $3  }
0x3a: {  	_ = 	snop  }
0x3b: {  	_ = 	snop  }
0x3c: {  	p2 =	seq.s32 s10, $0x1;
	s10 =	sld [smem:$0x3FB6]  }
0x3d: {  	_ =	shalt  }
0x3e: {  	_ =	shalt  }
0x3f: {  	_ =	shalt  }
0x40: {  	_ =	shalt  }
0x41: {  	_ =	shalt  }
0x42: {  	_ =	shalt  }
0x43: {  	_ =	shalt  }
0x44: {  	_ =	shalt  }
0x45: {  	_ =	shalt  }
0x46: {  	_ =	shalt  }
0x47: {  	_ =	shalt  }
0x48: {  	_ =	shalt  }
0x49: {  	_ =	shalt  }
0x4a: {  	_ =	shalt  }
0x4b: {  	_ =	shalt  }
0x4c: {  	_ =	shalt  }
0x4d: {  	_ =	shalt  }
0x4e: {  	_ =	shalt  }
0x4f: {  	_ =	shalt  }
0x50: {  	_ =	shalt  }
0x51: {  	_ =	shalt  }
0x52: {  	_ =	shalt  }
0x53: {  	_ =	shalt  }
0x54: {  	_ =	shalt  }
0x55: {  	_ =	shalt  }
0x56: {  	_ =	shalt  }
0x57: {  	_ =	shalt  }
0x58: {  	_ =	shalt  }
0x59: {  	_ =	shalt  }
0x5a: {  	_ =	shalt  }
0x5b: {  	_ =	shalt  }
0x5c: {  	_ =	shalt  }
0x5d: {  	_ =	shalt  }
0x5e: {  	_ =	shalt  }
0x5f: {  	_ =	shalt  }
0x60: {  	_ =	shalt  }
0x61: {  	_ =	shalt  }
0x62: {  	_ =	shalt  }
0x63: {  	_ =	shalt  }
0x64: {  	_ =	shalt  }
0x65: {  	_ =	shalt  }
0x66: {  	_ =	shalt  }
0x67: {  	_ =	shalt  }
0x68: {  	_ =	shalt  }
0x69: {  	_ =	shalt  }
0x6a: {  	_ =	shalt  }
0x6b: {  	_ =	shalt  }
0x6c: {  	_ =	shalt  }
0x6d: {  	_ =	shalt  }
0x6e: {  	_ =	shalt  }
0x6f: {  	_ =	shalt  }
0x70: {  	_ =	shalt  }
0x71: {  	_ =	shalt  }
0x72: {  	_ =	shalt  }
0x73: {  	_ =	shalt  }
0x74: {  	_ =	shalt  }
0x75: {  	_ =	shalt  }
0x76: {  	_ =	shalt  }
0x77: {  	_ =	shalt  }
0x78: {  	_ =	shalt  }
0x79: {  	_ =	shalt  }
0x7a: {  	_ =	shalt  }
0x7b: {  	_ =	shalt  }
0x7c: {  	_ =	shalt  }
0x7d: {  	_ =	shalt  }
0x7e: {  	_ =	shalt  }
0x7f: {  	_ =	shalt  }
0x80: {  	_ =	shalt  }
0x81: {  	_ =	shalt  }
0x82: {  	_ =	shalt  }
0x83: {  	_ =	shalt  }
0x84: {  	_ =	shalt  }
0x85: {  	_ =	shalt  }
0x86: {  	_ =	shalt  }
0x87: {  	_ =	shalt  }
.Lfunc_end0:
.L_simem_size_0:
called_computation_lowered:
.L_overlay_start_0:
0x88: {  	s2 =	sld [smem:$0x3FD9]  }
0x89: {  	s3 =	sld [smem:$0x3FFE];
	_ =	sdelay $0x1  }
0x8a: {  	s1 =	srdreg.scid  }
0x8b: {  	s0 =	sand.u32 $0x1, s1  }
0x8c: {  	s17 =	sshll.u32 s0, $0xA;
	s2 =	sadd.s32 s3, s2  }
0x8d: {  	s2 =	sadd.s32 s2, s17  }
0x8e: {  	[smem:$0x3FC2] =	sst s2  }
0x8f: {  	_ = 	snop  }
0x90: {  	s2 =	sld [smem:$0x3FD0];
	(tm) =	ssettm $0x1  }
0x91: {  	s18 =	sld [smem:$0x3FFB];
	_ =	sdelay $0x3  }
0x92: {  	_ =	strace s18  }
0x93: {  	s3 =	sld [smem:$0x3FFC];
	_ =	sdelay $0x3  }
0x94: {  	_ =	strace s3  }
0x95: {  	s3 =	sld [smem:$0x3FFD];
	_ =	sdelay $0x3  }
0x96: {  	_ =	strace s3  }
0x97: {  	_ =	strace $0x8FFFFFFF  }
0x98: {  	s19 =	sld [smem:$0x3FDB];
	_ =	sdelay $0x1  }
0x99: {  	s4 =	simm.s32 $_scs_section_size  }
0x9a: {  	s5 =	simm.s32 $_size__tile_overlayer_lowered;
	s6 =	simm.s32 $_tile_overlayer_lowered  }
0x9b: {  	s22 =	simm.s32 $0x1BFF;
	s21 =	sshll.u32 s6, $0x1;
	s3 =	sadd.s32 s4, s19  }
0x9c: {  	s7 =	simm.s32 $0x0;
	s20 =	sshll.u32 s5, $0x1;
	s5 =	sadd.s32 s21, s3  }
0x9d: {  	[timem:s7], [sflag:s22] =	dma.local [hbm:s5], s20  }
0x9e: {  	_ =	swait.ge [sflag:s22], s20  }
0x9f: {  	s4 =	ssub.s32 $0x0, s20;
	[sflag:s22] =	ssyncset.done $0x0  }
0xa0: {  	[sflag:s22] =	ssyncadd.s32 s4;
	_ =	sdelay $0x1  }
0xa1: {  	s23 =	simm.s32 $0x1B8B  }
0xa2: {  	_ =	swait.ge [sflag:s23], $0x1  }
0xa3: {  	[sflag:s23] =	ssyncset.done $0x0  }
0xa4: {  	s25 =	simm.s32 $0x1B8E;
	s24 =	sld [smem:$0x3FFE];
	[sflag:s23] =	ssyncadd.s32 $0xFFFFFFFF  }
0xa5: {  	s26 =	simm.s32 $execute0_lowered;
	[smem:$0x3FD2] =	sst s25  }
0xa6: {  	s5 =	sshll.u32 s26, $0x1;
	_ =	strace $0x80000046;
	[dreg:$0x1] =	wrdreg $0xFFFFFFFF  }
0xa7: {  	s28 =	simm.s32 $_size_execute0_lowered;
	s3 =	sadd.s32 s3, s5;
	[dreg:$0x0] =	wrdreg $0x0  }
0xa8: {  	s5 =	sshll.u32 s28, $0x1;
	[dreg:$0x2] =	wrdreg s3  }
0xa9: {  	[dreg:$0x3] =	wrdreg s5  }
0xaa: {  	[dreg:$0x4] =	wrdreg $0xC0  }
0xab: {  	_ =	task [dreg:s7], $0x5FFFF  }
0xac: {  	[dreg:$0x1] =	wrdreg $0xFFFFFFFF  }
0xad: {  	[dreg:$0x0] =	wrdreg $0x60  }
0xae: {  	[dreg:$0x2] =	wrdreg s2  }
0xaf: {  	[dreg:$0x3] =	wrdreg s24  }
0xb0: {  	[dreg:$0x4] =	wrdreg $0x30000  }
0xb1: {  	[dreg:$0x5] =	wrdreg $0x9  }
0xb2: {  	_ =	task.clear_ibuf [dreg:s7], $0x6FFFF;
	_ =	strace $0x90000046  }
0xb3: {  	s29 =	simm.s32 $0x9;
	_ =	strace $0x80000048  }
0xb4: {  	_ =	swait.ge [sflag:s29], $0x1  }
0xb5: {  	[sflag:s29] =	ssyncadd.s32 $0xFFFFFFFF  }
0xb6: {  	_ =	strace $0x90000048  }
0xb7: {  	_ =	sfence  }
0xb8: {  	s30 =	sld [smem:$0x0];
	_ =	sdelay $0x2  }
0xb9: {  	s31 =	sshll.u32 s1, $0xD;
	s1 =	sshrl.u32 s1, $0x2  }
0xba: {  	s3 =	sand.u32 $0x4000, s31;
	s1 =	sadd.s32 s1, s30  }
0xbb: {  	s0 =	sor.u32 s3, s0;
	s1 =	sshll.u32 s1, $0x11  }
0xbc: {  	s0 =	sor.u32 s1, s0  }
0xbd: {  	s0 =	sadd.s32 $0x8F2B, s0  }
0xbe: {  	[sflag:s0] =	ssyncadd.remote.s32 $0x1  }
0xbf: {  	_ =	sfence.sel $0xFFFF  }
0xc0: {  	[dreg:$0x0] =	wrdreg $0xFFFFFFFF;
	(pc) =	sbr.abs _section_cstart, $3  }
0xc1: {  	[dreg:$0x1] =	wrdreg $0xFFFFFFFF  }
0xc2: {  	_ =	task.clear_ibuf [dreg:s7], $0x2FFFF;
	_ =	strace $0x9FFFFFFF  }
0xc3: {  	(tm) =	ssettm $0x7FFFFFFF  }
tec
execute0_lowered:
.L_overlay_start_1:
0x0: {  	(tag) =	ssettag $0x1  }
0x1: {  	s7 =	rddreg [dreg:$0x0]  }
0x2: {  	s6 =	rddreg [dreg:$0x1]  }
0x3: {  	s2 =	rddreg [dreg:$0x2]  }
0x4: {  	s0 =	rddreg [dreg:$0x3]  }
0x5: {  	s4 =	srdreg.scid;
	s1 =	stileid.u32;
	s3 =	simm.s32 $0x0  }
0x6: {  	s14 =	simm.s32 $0x0;
	s8 =	sand.u32 $0x1, s4;
	s9 =	smul.u32 $0x2780, s1  }
0x7: {  	[smem:$0x7FF] =	sst s3;
	s4 =	sadd.s32 $0x2E00, s6;
	s5 =	sadd.s32 $0x2800, s6  }
0x8: {  	s31 =	sshll.u32 s1, $0x6;
	s10 =	smul.u32 $0x27800, s8;
	s11 =	sshll.u32 s8, $0x4  }
0x9: {  	_ =	strace $0x80000047;
	s8 =	ssub.s32 $0x2, s8;
	s11 =	sor.u32 s1, s11  }
0xa: {  	s30 =	sshrl.u32 s8, $0x1;
	s13 =	sadd.s32 s9, s2;
	s10 =	sadd.s32 s9, s10  }
0xb: {  	s11 =	smul.u32 $0x500, s11;
	s12 =	ssub.s32 s8, s30;
	s10 =	sshrl.u32 s10, $0x3  }
0xc: {  	s9 =	smax.u32 s12, $0x1;
	s12 =	simm.s32 $0x2800;
	s10 =	sadd.s32 s10, s6  }
0xd: {  	s6 =	sor.u32 $0x1C01, s31;
	s7 =	sadd.s32 s7, s11;
	s11 =	simm.s32 $0x1  }
0xe: {  	s8 =	sadd.s32 $0x3000, s10;
	s10 =	sshrl.u32 s13, $0x3;
	s13 =	simm.s32 $0x80  }
.LBB2_1:
0xf: {  	[spmem:s10], [sflag:s6] =	dma.local [hbm:s5], $0x4F0  }
0x10: {  	_ =	swait.ge [sflag:s11], $0x4F0  }
0x11: {  	[sflag:s11] =	ssyncset.done $0x0  }
0x12: {  	[sflag:s11] =	ssyncadd.s32 $0xFFFFFB10  }
0x13: {  	[tilespmem:s3], [sflag:$0x1] =	stream.linear.gather [hbm4b:s7+s3], $0x2800, $0x38;
	[tilespmem:$0x5780] =	vst v63  }
0x14: {  	_ =	swait.ge [sflag:s11], $0x2800  }
0x15: {  	[sflag:s11] =	ssyncset.done $0x0  }
0x16: {  	[sflag:s11] =	ssyncadd.s32 $0xFFFFD800  }
0x17: {  	[tilespmem:s12], [sflag:$0x1] =	stream.linear.gather [hbm4b:s4+s3], $0x800, $0x38;
	[tilespmem:$0x5780] =	vst v63  }
0x18: {  	_ =	swait.ge [sflag:s11], $0x800  }
0x19: {  	[sflag:s11] =	ssyncset.done $0x0  }
0x1a: {  	[sflag:s11] =	ssyncadd.s32 $0xFFFFF800  }
0x1b: {  	s15 =	simm.s32 $0x0;
	[bflag:$0x0] =	sbarrier.arrive $0xFFFF  }
0x1c: {  	[spmem:s2] =	stream.indirect.scatter.add.f32 [tilespmem:s12], [sflag:$0x1], $0x10, s15, s13, $0xb8;
	[tilespmem:$0x5780] =	vst v63  }
0x1d: {  	_ =	swait.ge [sflag:s11], $0x800  }
0x1e: {  	s15 =	simm.s32 $0x200;
	[sflag:s11] =	ssyncset.done $0x0  }
.LBB2_2:
0x1f: {  	s16 =	sshra.s32 s15, $0x2;
	[sflag:s11] =	ssyncadd.s32 $0xFFFFF800;
	p0 =	sne.s32 s15, $0x9E00  }
0x20: {  	[spmem:s2] =	stream.indirect.scatter.add.f32 [tilespmem:s12], [sflag:$0x1], $0x10, s16, s13, $0xb8;
	[tilespmem:$0x5780] =	vst v63  }
.Ltmp0:
0x21: {  	_ = 	snop;
	(pc) =	sbr.rel @p0 .LBB2_2-.Ltmp0, $4  }
0x22: {  	_ = 	snop  }
0x23: {  	s15 =	sadd.s32 $0x200, s15  }
0x24: {  	_ =	swait.ge [sflag:s11], $0x800  }
0x25: {  	[sflag:s11] =	ssyncset.done $0x0  }
0x26: {  	s14 =	sadd.s32 $0x1, s14  }
0x27: {  	[sflag:s11] =	ssyncadd.s32 $0xFFFFF800;
	p0 =	sne.s32 s14, s9  }
.Ltmp1:
0x28: {  	[bflag:$0x0] =	sbarrier.arrive $0xFFFF;
	(pc) =	sbr.rel @p0 .LBB2_1-.Ltmp1, $4  }
0x29: {  	[hbm:s8], [sflag:s6] =	dma.local [spmem:s10], $0x4F0  }
0x2a: {  	_ =	swait.ge [sflag:s11], $0x4F0  }
0x2b: {  	[sflag:s11] =	ssyncset.done $0x0  }
0x2c: {  	[sflag:s11] =	ssyncadd.s32 $0xFFFFFB10  }
0x2d: {  	_ =	sfence.sel $0x180000  }
0x2e: {  	[bflag:$0x0] =	sbarrier.arrive $0xFFFF  }
0x2f: {  	p0 =	sne.s32 s1, $0x0;
	_ =	strace $0x90000047  }
0x30: {  	s0 =	sadd.s32 @!p0 $0x100000, s0;
	[bflag:$0x2] =	sbarrier.arrive $0xFFFF  }
0x31: {  	[sflag:s0] =	ssyncadd.tile.s32 @!p0 $0x1;
	_ =	shalt  }
.Lfunc_end2:
_tile_overlayer_lowered:
.L_overlay_start_2:
0x32: {  	(tag) =	ssettag $0x2  }
0x33: {  	s0 =	rddreg [dreg:$0x0];
	s2 =	stileid.u32  }
0x34: {  	s1 =	rddreg [dreg:$0x1];
	p0 =	sne.s32 s2, $0x0  }
0x35: {  	s3 =	rddreg [dreg:$0x2];
	[bflag:$0x3] =	sbarrier.arrive $0xFFFF;
	s2 =	simm.s32 @!p0 $0x1C01  }
0x36: {  	[timem:s3], [sflag:s2] =	dma.local @!p0 [hbm:s0], s1  }
0x37: {  	s0 =	simm.s32 @!p0 $0x1  }
0x38: {  	_ =	swait.ge @!p0 [sflag:s0], s1  }
0x39: {  	s1 =	ssub.s32 @!p0 $0x0, s1;
	[sflag:s0] =	ssyncset.done @!p0 $0x0  }
0x3a: {  	[sflag:s0] =	ssyncadd.s32 @!p0 s1  }
0x3b: {  	[bflag:$0x3] =	sbarrier.arrive $0xFFFF  }
0x3c: {  	_ =	shalt  }

</sc_bundles>
